<compile_context>
chip_gen: v7x
topology: tpu7x:2x2x1
jax: 0.10.2.dev20260603
libtpu: 0.0.44.dev20260713+nightly
codegen_flags: <defaults>
</compile_context>

<pallas_src>
import functools

import jax
import jax.numpy as jnp
from jax import lax
from jax.experimental import pallas as pl
from jax.experimental.pallas import tpu as pltpu
from jax.experimental.pallas import tpu_sc as plsc

_VOCAB = 100000
_D = 128
_BATCH = 4096
_SEQ = 200
_N = _BATCH * _SEQ
_NC = 2
_NS = 16
_NW = _NC * _NS
_PER_W = _N // _NW
_CHUNK = 160
_NBUF = 4
_NSTEP = _PER_W // _CHUNK
assert _NSTEP % _NBUF == 0

_mesh = plsc.VectorSubcoreMesh(core_axis_name="c", subcore_axis_name="s")


@functools.partial(
    pl.kernel,
    mesh=_mesh,
    out_type=jax.ShapeDtypeStruct((_N, _D), jnp.float32),
    scratch_types=[
        pltpu.VMEM((_PER_W,), jnp.int32),
        pltpu.VMEM((_NBUF, _CHUNK, _D), jnp.float32),
    ] + [pltpu.SemaphoreType.DMA] * (2 * _NBUF),
)
def _gather(idx_hbm, table_hbm, out_hbm, idx_v, rows_v, *sems):
    wid = lax.axis_index("s") * _NC + lax.axis_index("c")
    base = wid * _PER_W
    sg = list(sems[:_NBUF])
    ss = list(sems[_NBUF:])

    pltpu.async_copy(idx_hbm.at[pl.ds(base, _PER_W)], idx_v, sg[0]).wait()

    def start_gather(k, b):
        pltpu.async_copy(
            table_hbm.at[idx_v.at[pl.ds(k * _CHUNK, _CHUNK)]],
            rows_v.at[b], sg[b])

    def start_scatter(k, b):
        pltpu.async_copy(
            rows_v.at[b], out_hbm.at[pl.ds(base + k * _CHUNK, _CHUNK)], ss[b])

    def wait(sem):
        pltpu.make_async_copy(
            out_hbm.at[pl.ds(0, _CHUNK)], rows_v.at[0], sem).wait()

    for b in range(_NBUF - 1):
        start_gather(b, b)

    def body(j, carry):
        for i in range(_NBUF):
            b = i
            bn = (i + _NBUF - 1) % _NBUF
            k = j * _NBUF + i
            kn = k + _NBUF - 1
            @pl.when(kn < _NSTEP)
            def _():
                @pl.when(k >= 1)
                def _():
                    wait(ss[bn])
                start_gather(kn, bn)

            wait(sg[b])
            start_scatter(k, b)
        return carry

    lax.fori_loop(0, _NSTEP // _NBUF, body, 0)

    for b in range(_NBUF):
        wait(ss[b])


def kernel(input_ids, token_embedding_weight, positional_embedding_weight):
    del positional_embedding_weight
    flat = input_ids.reshape(_N).astype(jnp.int32)
    out = _gather(flat, token_embedding_weight)
    return out.reshape(_BATCH, _SEQ, _D)

# --- scband reference (transcript-rebuilt; emitter-appended) ---
"""Pipeline reference for scband-token-embedding-79199196938429 (READ-ONLY COPY).

The authoritative reference and input builder live on the scoring server;
editing this copy changes nothing except your own understanding.
"""

import jax, jax.numpy as jnp
import numpy as np

VOCAB_SIZE = 100000
EMBED_DIM = 128
MAX_POSITION = 256
BATCH = 4096
SEQ_LEN = 200


def setup_inputs(seed: int = 0) -> dict:
    key = jax.random.key(seed)
    k_ids, k_tok, k_pos = jax.random.split(key, 3)
    input_ids = jax.random.randint(k_ids, (BATCH, SEQ_LEN), 0, VOCAB_SIZE, dtype=jnp.int64 if jax.config.jax_enable_x64 else jnp.int32)
    token_embedding_weight = 0.02 * jax.random.normal(k_tok, (VOCAB_SIZE, EMBED_DIM), dtype=jnp.float32)
    positional_embedding_weight = 0.02 * jax.random.normal(k_pos, (MAX_POSITION, EMBED_DIM), dtype=jnp.float32)
    return {
        "input_ids": input_ids,
        "token_embedding_weight": token_embedding_weight,
        "positional_embedding_weight": positional_embedding_weight,
    }


def reference(input_ids, token_embedding_weight, positional_embedding_weight):
    # Faithful translation of TokenEmbedding.forward: only the token embedding
    # lookup is performed (positional embedding is constructed but unused in forward).
    token_embeds = jnp.take(token_embedding_weight, input_ids, axis=0)
    return token_embeds

if __name__ == "__main__":
    import jax
    _d = setup_inputs()
    print(jax.jit(kernel)(*tuple(_d.values())))

</pallas_src>

<mosaic_0001>
#map = affine_map<(d0, d1) -> (0)>
#map1 = affine_map<(d0, d1) -> (0, 0)>
module attributes {stable_mosaic.version = 14 : i64} {
  func.func @_gather(%arg0: i32, %arg1: i32, %arg2: memref<819200xi32, #tpu.memory_space<hbm>>, %arg3: memref<100000x128xf32, #tpu.memory_space<hbm>>, %arg4: memref<819200x128xf32, #tpu.memory_space<hbm>>, %arg5: memref<25600xi32, #tpu.memory_space<vmem>>, %arg6: memref<4x160x128xf32, #tpu.memory_space<vmem>>, %arg7: memref<!tpu.dma_semaphore, #tpu.memory_space<semaphore_mem>>, %arg8: memref<!tpu.dma_semaphore, #tpu.memory_space<semaphore_mem>>, %arg9: memref<!tpu.dma_semaphore, #tpu.memory_space<semaphore_mem>>, %arg10: memref<!tpu.dma_semaphore, #tpu.memory_space<semaphore_mem>>, %arg11: memref<!tpu.dma_semaphore, #tpu.memory_space<semaphore_mem>>, %arg12: memref<!tpu.dma_semaphore, #tpu.memory_space<semaphore_mem>>, %arg13: memref<!tpu.dma_semaphore, #tpu.memory_space<semaphore_mem>>, %arg14: memref<!tpu.dma_semaphore, #tpu.memory_space<semaphore_mem>>) attributes {dimension_semantics = [#tpu.dimension_semantics<core_parallel>, #tpu.dimension_semantics<subcore_parallel>], iteration_bounds = array<i64: 2, 16>, scalar_prefetch = 0 : i64, scratch_operands = 10 : i64, tpu.core_type = #tpu.core_type<sc_vector_subcore>, window_params = [{transform_indices = #map}, {transform_indices = #map1}, {transform_indices = #map1}]} {
    %mul3A = arith.constant 2 : i32
    %mul3A_0 = arith.muli %arg1, %mul3A : i32
    %add3A = arith.addi %mul3A_0, %arg0 : i32
    %mul3A_1 = arith.constant 25600 : i32
    %mul3A_2 = arith.muli %add3A, %mul3A_1 : i32
    %dma_start3A = tpu.memref_slice %arg2[%mul3A_2] : memref<819200xi32, #tpu.memory_space<hbm>> -> memref<25600xi32, #tpu.memory_space<hbm>>
    %dma_start3A_3 = tpu.memref_slice %arg2[%mul3A_2] : memref<819200xi32, #tpu.memory_space<hbm>> -> memref<25600xi32, #tpu.memory_space<hbm>>
    tpu.enqueue_dma source(%dma_start3A_3 : memref<25600xi32, #tpu.memory_space<hbm>>) target(%arg5 : memref<25600xi32, #tpu.memory_space<vmem>>) target_semaphore(%arg7 : memref<!tpu.dma_semaphore, #tpu.memory_space<semaphore_mem>>)
    %dma_wait3A = tpu.memref_slice %arg2[%mul3A_2] : memref<819200xi32, #tpu.memory_space<hbm>> -> memref<25600xi32, #tpu.memory_space<hbm>>
    %dma_wait3A_4 = tpu.memref_slice %arg2[%mul3A_2] : memref<819200xi32, #tpu.memory_space<hbm>> -> memref<25600xi32, #tpu.memory_space<hbm>>
    tpu.wait_dma2 semaphore(%arg7 : memref<!tpu.dma_semaphore, #tpu.memory_space<semaphore_mem>>) src(%dma_wait3A_4 : memref<25600xi32, #tpu.memory_space<hbm>>) dst(%arg5 : memref<25600xi32, #tpu.memory_space<vmem>>)
    %dma_start3A_5 = arith.constant 0 : i32
    %dma_start3A_6 = arith.constant 0 : i32
    %dma_start3A_7 = arith.constant 0 : i32
    %dma_start3A_8 = tpu.memref_slice %arg6[%dma_start3A_5, %dma_start3A_6, %dma_start3A_7] : memref<4x160x128xf32, #tpu.memory_space<vmem>> -> memref<1x160x128xf32, #tpu.memory_space<vmem>>
    %dma_start3A_9 = tpu.memref_squeeze %dma_start3A_8 : memref<1x160x128xf32, #tpu.memory_space<vmem>> -> memref<160x128xf32, #tpu.memory_space<vmem>>
    %dma_start3A_10 = arith.constant 0 : i32
    %dma_start3A_11 = tpu.memref_slice %arg5[%dma_start3A_10] : memref<25600xi32, #tpu.memory_space<vmem>> -> memref<160xi32, #tpu.memory_space<vmem>>
    %dma_start3A_12 = arith.constant 0 : i32
    %dma_start3A_13 = arith.constant 0 : i32
    %dma_start3A_14 = tpu.memref_slice %arg3[%dma_start3A_12, %dma_start3A_13] : memref<100000x128xf32, #tpu.memory_space<hbm>> -> memref<100000x128xf32, #tpu.memory_space<hbm>>
    tpu.enqueue_indirect_dma source(%dma_start3A_14 : memref<100000x128xf32, #tpu.memory_space<hbm>>) target(%dma_start3A_9 : memref<160x128xf32, #tpu.memory_space<vmem>>) offsets(%dma_start3A_11 : memref<160xi32, #tpu.memory_space<vmem>>) semaphore(%arg7 : memref<!tpu.dma_semaphore, #tpu.memory_space<semaphore_mem>>)
    %dma_start3A_15 = arith.constant 1 : i32
    %dma_start3A_16 = arith.constant 0 : i32
    %dma_start3A_17 = arith.constant 0 : i32
    %dma_start3A_18 = tpu.memref_slice %arg6[%dma_start3A_15, %dma_start3A_16, %dma_start3A_17] : memref<4x160x128xf32, #tpu.memory_space<vmem>> -> memref<1x160x128xf32, #tpu.memory_space<vmem>>
    %dma_start3A_19 = tpu.memref_squeeze %dma_start3A_18 : memref<1x160x128xf32, #tpu.memory_space<vmem>> -> memref<160x128xf32, #tpu.memory_space<vmem>>
    %dma_start3A_20 = arith.constant 160 : i32
    %dma_start3A_21 = tpu.memref_slice %arg5[%dma_start3A_20] : memref<25600xi32, #tpu.memory_space<vmem>> -> memref<160xi32, #tpu.memory_space<vmem>>
    %dma_start3A_22 = arith.constant 0 : i32
    %dma_start3A_23 = arith.constant 0 : i32
    %dma_start3A_24 = tpu.memref_slice %arg3[%dma_start3A_22, %dma_start3A_23] : memref<100000x128xf32, #tpu.memory_space<hbm>> -> memref<100000x128xf32, #tpu.memory_space<hbm>>
    tpu.enqueue_indirect_dma source(%dma_start3A_24 : memref<100000x128xf32, #tpu.memory_space<hbm>>) target(%dma_start3A_19 : memref<160x128xf32, #tpu.memory_space<vmem>>) offsets(%dma_start3A_21 : memref<160xi32, #tpu.memory_space<vmem>>) semaphore(%arg8 : memref<!tpu.dma_semaphore, #tpu.memory_space<semaphore_mem>>)
    %dma_start3A_25 = arith.constant 2 : i32
    %dma_start3A_26 = arith.constant 0 : i32
    %dma_start3A_27 = arith.constant 0 : i32
    %dma_start3A_28 = tpu.memref_slice %arg6[%dma_start3A_25, %dma_start3A_26, %dma_start3A_27] : memref<4x160x128xf32, #tpu.memory_space<vmem>> -> memref<1x160x128xf32, #tpu.memory_space<vmem>>
    %dma_start3A_29 = tpu.memref_squeeze %dma_start3A_28 : memref<1x160x128xf32, #tpu.memory_space<vmem>> -> memref<160x128xf32, #tpu.memory_space<vmem>>
    %dma_start3A_30 = arith.constant 320 : i32
    %dma_start3A_31 = tpu.memref_slice %arg5[%dma_start3A_30] : memref<25600xi32, #tpu.memory_space<vmem>> -> memref<160xi32, #tpu.memory_space<vmem>>
    %dma_start3A_32 = arith.constant 0 : i32
    %dma_start3A_33 = arith.constant 0 : i32
    %dma_start3A_34 = tpu.memref_slice %arg3[%dma_start3A_32, %dma_start3A_33] : memref<100000x128xf32, #tpu.memory_space<hbm>> -> memref<100000x128xf32, #tpu.memory_space<hbm>>
    tpu.enqueue_indirect_dma source(%dma_start3A_34 : memref<100000x128xf32, #tpu.memory_space<hbm>>) target(%dma_start3A_29 : memref<160x128xf32, #tpu.memory_space<vmem>>) offsets(%dma_start3A_31 : memref<160xi32, #tpu.memory_space<vmem>>) semaphore(%arg9 : memref<!tpu.dma_semaphore, #tpu.memory_space<semaphore_mem>>)
    %scan3A = arith.constant 0 : i32
    %scan3A_35 = arith.constant 0 : i32
    %scan3A_36 = arith.constant 40 : i32
    %scan3A_37 = arith.addi %scan3A_35, %scan3A_36 : i32
    %scan3A_38 = arith.constant 1 : i32
    scf.for %scan3A_100 = %scan3A_35 to %scan3A_37 step %scan3A_38  : i32 {
      %mul3A_101 = arith.constant 4 : i32
      %mul3A_102 = arith.muli %scan3A_100, %mul3A_101 : i32
      %add3A_103 = arith.constant 0 : i32
      %add3A_104 = arith.addi %mul3A_102, %add3A_103 : i32
      %add3A_105 = arith.constant 4 : i32
      %add3A_106 = arith.addi %add3A_104, %add3A_105 : i32
      %sub3A = arith.constant 1 : i32
      %sub3A_107 = arith.subi %add3A_106, %sub3A : i32
      %lt3A = arith.constant 160 : i32
      %lt3A_108 = arith.cmpi slt, %sub3A_107, %lt3A : i32
      %convert_element_type3A = arith.extui %lt3A_108 : i1 to i32
      %cond3A = arith.constant 0 : i32
      %cond3A_109 = arith.cmpi ne, %convert_element_type3A, %cond3A : i32
      scf.if %cond3A_109 {
        %ge3A = arith.constant 1 : i32
        %ge3A_273 = arith.cmpi sge, %add3A_104, %ge3A : i32
        %convert_element_type3A_274 = arith.extui %ge3A_273 : i1 to i32
        %cond3A_275 = arith.constant 0 : i32
        %cond3A_276 = arith.cmpi ne, %convert_element_type3A_274, %cond3A_275 : i32
        scf.if %cond3A_276 {
          %dma_wait3A_288 = arith.constant 0 : i32
          %dma_wait3A_289 = arith.constant 0 : i32
          %dma_wait3A_290 = arith.constant 0 : i32
          %dma_wait3A_291 = tpu.memref_slice %arg6[%dma_wait3A_288, %dma_wait3A_289, %dma_wait3A_290] : memref<4x160x128xf32, #tpu.memory_space<vmem>> -> memref<1x160x128xf32, #tpu.memory_space<vmem>>
          %dma_wait3A_292 = tpu.memref_squeeze %dma_wait3A_291 : memref<1x160x128xf32, #tpu.memory_space<vmem>> -> memref<160x128xf32, #tpu.memory_space<vmem>>
          %dma_wait3A_293 = arith.constant 0 : i32
          %dma_wait3A_294 = arith.constant 0 : i32
          %dma_wait3A_295 = tpu.memref_slice %arg4[%dma_wait3A_293, %dma_wait3A_294] : memref<819200x128xf32, #tpu.memory_space<hbm>> -> memref<160x128xf32, #tpu.memory_space<hbm>>
          %dma_wait3A_296 = arith.constant 0 : i32
          %dma_wait3A_297 = arith.constant 0 : i32
          %dma_wait3A_298 = tpu.memref_slice %arg6[%dma_wait3A_288, %dma_wait3A_296, %dma_wait3A_297] : memref<4x160x128xf32, #tpu.memory_space<vmem>> -> memref<1x160x128xf32, #tpu.memory_space<vmem>>
          %dma_wait3A_299 = tpu.memref_squeeze %dma_wait3A_298 : memref<1x160x128xf32, #tpu.memory_space<vmem>> -> memref<160x128xf32, #tpu.memory_space<vmem>>
          %dma_wait3A_300 = arith.constant 0 : i32
          %dma_wait3A_301 = arith.constant 0 : i32
          %dma_wait3A_302 = tpu.memref_slice %arg4[%dma_wait3A_300, %dma_wait3A_301] : memref<819200x128xf32, #tpu.memory_space<hbm>> -> memref<160x128xf32, #tpu.memory_space<hbm>>
          tpu.wait_dma2 semaphore(%arg14 : memref<!tpu.dma_semaphore, #tpu.memory_space<semaphore_mem>>) src(%dma_wait3A_302 : memref<160x128xf32, #tpu.memory_space<hbm>>) dst(%dma_wait3A_299 : memref<160x128xf32, #tpu.memory_space<vmem>>)
        } else {
        }
        %mul3A_277 = arith.constant 160 : i32
        %mul3A_278 = arith.muli %sub3A_107, %mul3A_277 : i32
        %dma_start3A_279 = arith.constant 3 : i32
        %dma_start3A_280 = arith.constant 0 : i32
        %dma_start3A_281 = arith.constant 0 : i32
        %dma_start3A_282 = tpu.memref_slice %arg6[%dma_start3A_279, %dma_start3A_280, %dma_start3A_281] : memref<4x160x128xf32, #tpu.memory_space<vmem>> -> memref<1x160x128xf32, #tpu.memory_space<vmem>>
        %dma_start3A_283 = tpu.memref_squeeze %dma_start3A_282 : memref<1x160x128xf32, #tpu.memory_space<vmem>> -> memref<160x128xf32, #tpu.memory_space<vmem>>
        %dma_start3A_284 = tpu.memref_slice %arg5[%mul3A_278] : memref<25600xi32, #tpu.memory_space<vmem>> -> memref<160xi32, #tpu.memory_space<vmem>>
        %dma_start3A_285 = arith.constant 0 : i32
        %dma_start3A_286 = arith.constant 0 : i32
        %dma_start3A_287 = tpu.memref_slice %arg3[%dma_start3A_285, %dma_start3A_286] : memref<100000x128xf32, #tpu.memory_space<hbm>> -> memref<100000x128xf32, #tpu.memory_space<hbm>>
        tpu.enqueue_indirect_dma source(%dma_start3A_287 : memref<100000x128xf32, #tpu.memory_space<hbm>>) target(%dma_start3A_283 : memref<160x128xf32, #tpu.memory_space<vmem>>) offsets(%dma_start3A_284 : memref<160xi32, #tpu.memory_space<vmem>>) semaphore(%arg10 : memref<!tpu.dma_semaphore, #tpu.memory_space<semaphore_mem>>)
      } else {
      }
      %dma_wait3A_110 = arith.constant 0 : i32
      %dma_wait3A_111 = arith.constant 0 : i32
      %dma_wait3A_112 = arith.constant 0 : i32
      %dma_wait3A_113 = tpu.memref_slice %arg6[%dma_wait3A_110, %dma_wait3A_111, %dma_wait3A_112] : memref<4x160x128xf32, #tpu.memory_space<vmem>> -> memref<1x160x128xf32, #tpu.memory_space<vmem>>
      %dma_wait3A_114 = tpu.memref_squeeze %dma_wait3A_113 : memref<1x160x128xf32, #tpu.memory_space<vmem>> -> memref<160x128xf32, #tpu.memory_space<vmem>>
      %dma_wait3A_115 = arith.constant 0 : i32
      %dma_wait3A_116 = arith.constant 0 : i32
      %dma_wait3A_117 = tpu.memref_slice %arg4[%dma_wait3A_115, %dma_wait3A_116] : memref<819200x128xf32, #tpu.memory_space<hbm>> -> memref<160x128xf32, #tpu.memory_space<hbm>>
      %dma_wait3A_118 = arith.constant 0 : i32
      %dma_wait3A_119 = arith.constant 0 : i32
      %dma_wait3A_120 = tpu.memref_slice %arg6[%dma_wait3A_110, %dma_wait3A_118, %dma_wait3A_119] : memref<4x160x128xf32, #tpu.memory_space<vmem>> -> memref<1x160x128xf32, #tpu.memory_space<vmem>>
      %dma_wait3A_121 = tpu.memref_squeeze %dma_wait3A_120 : memref<1x160x128xf32, #tpu.memory_space<vmem>> -> memref<160x128xf32, #tpu.memory_space<vmem>>
      %dma_wait3A_122 = arith.constant 0 : i32
      %dma_wait3A_123 = arith.constant 0 : i32
      %dma_wait3A_124 = tpu.memref_slice %arg4[%dma_wait3A_122, %dma_wait3A_123] : memref<819200x128xf32, #tpu.memory_space<hbm>> -> memref<160x128xf32, #tpu.memory_space<hbm>>
      tpu.wait_dma2 semaphore(%arg7 : memref<!tpu.dma_semaphore, #tpu.memory_space<semaphore_mem>>) src(%dma_wait3A_124 : memref<160x128xf32, #tpu.memory_space<hbm>>) dst(%dma_wait3A_121 : memref<160x128xf32, #tpu.memory_space<vmem>>)
      %mul3A_125 = arith.constant 160 : i32
      %mul3A_126 = arith.muli %add3A_104, %mul3A_125 : i32
      %add3A_127 = arith.addi %mul3A_2, %mul3A_126 : i32
      %dma_start3A_128 = arith.constant 0 : i32
      %dma_start3A_129 = arith.constant 0 : i32
      %dma_start3A_130 = arith.constant 0 : i32
      %dma_start3A_131 = tpu.memref_slice %arg6[%dma_start3A_128, %dma_start3A_129, %dma_start3A_130] : memref<4x160x128xf32, #tpu.memory_space<vmem>> -> memref<1x160x128xf32, #tpu.memory_space<vmem>>
      %dma_start3A_132 = tpu.memref_squeeze %dma_start3A_131 : memref<1x160x128xf32, #tpu.memory_space<vmem>> -> memref<160x128xf32, #tpu.memory_space<vmem>>
      %dma_start3A_133 = arith.constant 0 : i32
      %dma_start3A_134 = tpu.memref_slice %arg4[%add3A_127, %dma_start3A_133] : memref<819200x128xf32, #tpu.memory_space<hbm>> -> memref<160x128xf32, #tpu.memory_space<hbm>>
      %dma_start3A_135 = arith.constant 0 : i32
      %dma_start3A_136 = tpu.memref_slice %arg4[%add3A_127, %dma_start3A_135] : memref<819200x128xf32, #tpu.memory_space<hbm>> -> memref<160x128xf32, #tpu.memory_space<hbm>>
      %dma_start3A_137 = arith.constant 0 : i32
      %dma_start3A_138 = arith.constant 0 : i32
      %dma_start3A_139 = tpu.memref_slice %arg6[%dma_start3A_128, %dma_start3A_137, %dma_start3A_138] : memref<4x160x128xf32, #tpu.memory_space<vmem>> -> memref<1x160x128xf32, #tpu.memory_space<vmem>>
      %dma_start3A_140 = tpu.memref_squeeze %dma_start3A_139 : memref<1x160x128xf32, #tpu.memory_space<vmem>> -> memref<160x128xf32, #tpu.memory_space<vmem>>
      tpu.enqueue_dma source(%dma_start3A_140 : memref<160x128xf32, #tpu.memory_space<vmem>>) target(%dma_start3A_136 : memref<160x128xf32, #tpu.memory_space<hbm>>) target_semaphore(%arg11 : memref<!tpu.dma_semaphore, #tpu.memory_space<semaphore_mem>>)
      %mul3A_141 = arith.constant 4 : i32
      %mul3A_142 = arith.muli %scan3A_100, %mul3A_141 : i32
      %add3A_143 = arith.constant 1 : i32
      %add3A_144 = arith.addi %mul3A_142, %add3A_143 : i32
      %add3A_145 = arith.constant 4 : i32
      %add3A_146 = arith.addi %add3A_144, %add3A_145 : i32
      %sub3A_147 = arith.constant 1 : i32
      %sub3A_148 = arith.subi %add3A_146, %sub3A_147 : i32
      %lt3A_149 = arith.constant 160 : i32
      %lt3A_150 = arith.cmpi slt, %sub3A_148, %lt3A_149 : i32
      %convert_element_type3A_151 = arith.extui %lt3A_150 : i1 to i32
      %cond3A_152 = arith.constant 0 : i32
      %cond3A_153 = arith.cmpi ne, %convert_element_type3A_151, %cond3A_152 : i32
      scf.if %cond3A_153 {
        %ge3A = arith.constant 1 : i32
        %ge3A_273 = arith.cmpi sge, %add3A_144, %ge3A : i32
        %convert_element_type3A_274 = arith.extui %ge3A_273 : i1 to i32
        %cond3A_275 = arith.constant 0 : i32
        %cond3A_276 = arith.cmpi ne, %convert_element_type3A_274, %cond3A_275 : i32
        scf.if %cond3A_276 {
          %dma_wait3A_288 = arith.constant 0 : i32
          %dma_wait3A_289 = arith.constant 0 : i32
          %dma_wait3A_290 = arith.constant 0 : i32
          %dma_wait3A_291 = tpu.memref_slice %arg6[%dma_wait3A_288, %dma_wait3A_289, %dma_wait3A_290] : memref<4x160x128xf32, #tpu.memory_space<vmem>> -> memref<1x160x128xf32, #tpu.memory_space<vmem>>
          %dma_wait3A_292 = tpu.memref_squeeze %dma_wait3A_291 : memref<1x160x128xf32, #tpu.memory_space<vmem>> -> memref<160x128xf32, #tpu.memory_space<vmem>>
          %dma_wait3A_293 = arith.constant 0 : i32
          %dma_wait3A_294 = arith.constant 0 : i32
          %dma_wait3A_295 = tpu.memref_slice %arg4[%dma_wait3A_293, %dma_wait3A_294] : memref<819200x128xf32, #tpu.memory_space<hbm>> -> memref<160x128xf32, #tpu.memory_space<hbm>>
          %dma_wait3A_296 = arith.constant 0 : i32
          %dma_wait3A_297 = arith.constant 0 : i32
          %dma_wait3A_298 = tpu.memref_slice %arg6[%dma_wait3A_288, %dma_wait3A_296, %dma_wait3A_297] : memref<4x160x128xf32, #tpu.memory_space<vmem>> -> memref<1x160x128xf32, #tpu.memory_space<vmem>>
          %dma_wait3A_299 = tpu.memref_squeeze %dma_wait3A_298 : memref<1x160x128xf32, #tpu.memory_space<vmem>> -> memref<160x128xf32, #tpu.memory_space<vmem>>
          %dma_wait3A_300 = arith.constant 0 : i32
          %dma_wait3A_301 = arith.constant 0 : i32
          %dma_wait3A_302 = tpu.memref_slice %arg4[%dma_wait3A_300, %dma_wait3A_301] : memref<819200x128xf32, #tpu.memory_space<hbm>> -> memref<160x128xf32, #tpu.memory_space<hbm>>
          tpu.wait_dma2 semaphore(%arg11 : memref<!tpu.dma_semaphore, #tpu.memory_space<semaphore_mem>>) src(%dma_wait3A_302 : memref<160x128xf32, #tpu.memory_space<hbm>>) dst(%dma_wait3A_299 : memref<160x128xf32, #tpu.memory_space<vmem>>)
        } else {
        }
        %mul3A_277 = arith.constant 160 : i32
        %mul3A_278 = arith.muli %sub3A_148, %mul3A_277 : i32
        %dma_start3A_279 = arith.constant 0 : i32
        %dma_start3A_280 = arith.constant 0 : i32
        %dma_start3A_281 = arith.constant 0 : i32
        %dma_start3A_282 = tpu.memref_slice %arg6[%dma_start3A_279, %dma_start3A_280, %dma_start3A_281] : memref<4x160x128xf32, #tpu.memory_space<vmem>> -> memref<1x160x128xf32, #tpu.memory_space<vmem>>
        %dma_start3A_283 = tpu.memref_squeeze %dma_start3A_282 : memref<1x160x128xf32, #tpu.memory_space<vmem>> -> memref<160x128xf32, #tpu.memory_space<vmem>>
        %dma_start3A_284 = tpu.memref_slice %arg5[%mul3A_278] : memref<25600xi32, #tpu.memory_space<vmem>> -> memref<160xi32, #tpu.memory_space<vmem>>
        %dma_start3A_285 = arith.constant 0 : i32
        %dma_start3A_286 = arith.constant 0 : i32
        %dma_start3A_287 = tpu.memref_slice %arg3[%dma_start3A_285, %dma_start3A_286] : memref<100000x128xf32, #tpu.memory_space<hbm>> -> memref<100000x128xf32, #tpu.memory_space<hbm>>
        tpu.enqueue_indirect_dma source(%dma_start3A_287 : memref<100000x128xf32, #tpu.memory_space<hbm>>) target(%dma_start3A_283 : memref<160x128xf32, #tpu.memory_space<vmem>>) offsets(%dma_start3A_284 : memref<160xi32, #tpu.memory_space<vmem>>) semaphore(%arg7 : memref<!tpu.dma_semaphore, #tpu.memory_space<semaphore_mem>>)
      } else {
      }
      %dma_wait3A_154 = arith.constant 0 : i32
      %dma_wait3A_155 = arith.constant 0 : i32
      %dma_wait3A_156 = arith.constant 0 : i32
      %dma_wait3A_157 = tpu.memref_slice %arg6[%dma_wait3A_154, %dma_wait3A_155, %dma_wait3A_156] : memref<4x160x128xf32, #tpu.memory_space<vmem>> -> memref<1x160x128xf32, #tpu.memory_space<vmem>>
      %dma_wait3A_158 = tpu.memref_squeeze %dma_wait3A_157 : memref<1x160x128xf32, #tpu.memory_space<vmem>> -> memref<160x128xf32, #tpu.memory_space<vmem>>
      %dma_wait3A_159 = arith.constant 0 : i32
      %dma_wait3A_160 = arith.constant 0 : i32
      %dma_wait3A_161 = tpu.memref_slice %arg4[%dma_wait3A_159, %dma_wait3A_160] : memref<819200x128xf32, #tpu.memory_space<hbm>> -> memref<160x128xf32, #tpu.memory_space<hbm>>
      %dma_wait3A_162 = arith.constant 0 : i32
      %dma_wait3A_163 = arith.constant 0 : i32
      %dma_wait3A_164 = tpu.memref_slice %arg6[%dma_wait3A_154, %dma_wait3A_162, %dma_wait3A_163] : memref<4x160x128xf32, #tpu.memory_space<vmem>> -> memref<1x160x128xf32, #tpu.memory_space<vmem>>
      %dma_wait3A_165 = tpu.memref_squeeze %dma_wait3A_164 : memref<1x160x128xf32, #tpu.memory_space<vmem>> -> memref<160x128xf32, #tpu.memory_space<vmem>>
      %dma_wait3A_166 = arith.constant 0 : i32
      %dma_wait3A_167 = arith.constant 0 : i32
      %dma_wait3A_168 = tpu.memref_slice %arg4[%dma_wait3A_166, %dma_wait3A_167] : memref<819200x128xf32, #tpu.memory_space<hbm>> -> memref<160x128xf32, #tpu.memory_space<hbm>>
      tpu.wait_dma2 semaphore(%arg8 : memref<!tpu.dma_semaphore, #tpu.memory_space<semaphore_mem>>) src(%dma_wait3A_168 : memref<160x128xf32, #tpu.memory_space<hbm>>) dst(%dma_wait3A_165 : memref<160x128xf32, #tpu.memory_space<vmem>>)
      %mul3A_169 = arith.constant 160 : i32
      %mul3A_170 = arith.muli %add3A_144, %mul3A_169 : i32
      %add3A_171 = arith.addi %mul3A_2, %mul3A_170 : i32
      %dma_start3A_172 = arith.constant 1 : i32
      %dma_start3A_173 = arith.constant 0 : i32
      %dma_start3A_174 = arith.constant 0 : i32
      %dma_start3A_175 = tpu.memref_slice %arg6[%dma_start3A_172, %dma_start3A_173, %dma_start3A_174] : memref<4x160x128xf32, #tpu.memory_space<vmem>> -> memref<1x160x128xf32, #tpu.memory_space<vmem>>
      %dma_start3A_176 = tpu.memref_squeeze %dma_start3A_175 : memref<1x160x128xf32, #tpu.memory_space<vmem>> -> memref<160x128xf32, #tpu.memory_space<vmem>>
      %dma_start3A_177 = arith.constant 0 : i32
      %dma_start3A_178 = tpu.memref_slice %arg4[%add3A_171, %dma_start3A_177] : memref<819200x128xf32, #tpu.memory_space<hbm>> -> memref<160x128xf32, #tpu.memory_space<hbm>>
      %dma_start3A_179 = arith.constant 0 : i32
      %dma_start3A_180 = tpu.memref_slice %arg4[%add3A_171, %dma_start3A_179] : memref<819200x128xf32, #tpu.memory_space<hbm>> -> memref<160x128xf32, #tpu.memory_space<hbm>>
      %dma_start3A_181 = arith.constant 0 : i32
      %dma_start3A_182 = arith.constant 0 : i32
      %dma_start3A_183 = tpu.memref_slice %arg6[%dma_start3A_172, %dma_start3A_181, %dma_start3A_182] : memref<4x160x128xf32, #tpu.memory_space<vmem>> -> memref<1x160x128xf32, #tpu.memory_space<vmem>>
      %dma_start3A_184 = tpu.memref_squeeze %dma_start3A_183 : memref<1x160x128xf32, #tpu.memory_space<vmem>> -> memref<160x128xf32, #tpu.memory_space<vmem>>
      tpu.enqueue_dma source(%dma_start3A_184 : memref<160x128xf32, #tpu.memory_space<vmem>>) target(%dma_start3A_180 : memref<160x128xf32, #tpu.memory_space<hbm>>) target_semaphore(%arg12 : memref<!tpu.dma_semaphore, #tpu.memory_space<semaphore_mem>>)
      %mul3A_185 = arith.constant 4 : i32
      %mul3A_186 = arith.muli %scan3A_100, %mul3A_185 : i32
      %add3A_187 = arith.constant 2 : i32
      %add3A_188 = arith.addi %mul3A_186, %add3A_187 : i32
      %add3A_189 = arith.constant 4 : i32
      %add3A_190 = arith.addi %add3A_188, %add3A_189 : i32
      %sub3A_191 = arith.constant 1 : i32
      %sub3A_192 = arith.subi %add3A_190, %sub3A_191 : i32
      %lt3A_193 = arith.constant 160 : i32
      %lt3A_194 = arith.cmpi slt, %sub3A_192, %lt3A_193 : i32
      %convert_element_type3A_195 = arith.extui %lt3A_194 : i1 to i32
      %cond3A_196 = arith.constant 0 : i32
      %cond3A_197 = arith.cmpi ne, %convert_element_type3A_195, %cond3A_196 : i32
      scf.if %cond3A_197 {
        %ge3A = arith.constant 1 : i32
        %ge3A_273 = arith.cmpi sge, %add3A_188, %ge3A : i32
        %convert_element_type3A_274 = arith.extui %ge3A_273 : i1 to i32
        %cond3A_275 = arith.constant 0 : i32
        %cond3A_276 = arith.cmpi ne, %convert_element_type3A_274, %cond3A_275 : i32
        scf.if %cond3A_276 {
          %dma_wait3A_288 = arith.constant 0 : i32
          %dma_wait3A_289 = arith.constant 0 : i32
          %dma_wait3A_290 = arith.constant 0 : i32
          %dma_wait3A_291 = tpu.memref_slice %arg6[%dma_wait3A_288, %dma_wait3A_289, %dma_wait3A_290] : memref<4x160x128xf32, #tpu.memory_space<vmem>> -> memref<1x160x128xf32, #tpu.memory_space<vmem>>
          %dma_wait3A_292 = tpu.memref_squeeze %dma_wait3A_291 : memref<1x160x128xf32, #tpu.memory_space<vmem>> -> memref<160x128xf32, #tpu.memory_space<vmem>>
          %dma_wait3A_293 = arith.constant 0 : i32
          %dma_wait3A_294 = arith.constant 0 : i32
          %dma_wait3A_295 = tpu.memref_slice %arg4[%dma_wait3A_293, %dma_wait3A_294] : memref<819200x128xf32, #tpu.memory_space<hbm>> -> memref<160x128xf32, #tpu.memory_space<hbm>>
          %dma_wait3A_296 = arith.constant 0 : i32
          %dma_wait3A_297 = arith.constant 0 : i32
          %dma_wait3A_298 = tpu.memref_slice %arg6[%dma_wait3A_288, %dma_wait3A_296, %dma_wait3A_297] : memref<4x160x128xf32, #tpu.memory_space<vmem>> -> memref<1x160x128xf32, #tpu.memory_space<vmem>>
          %dma_wait3A_299 = tpu.memref_squeeze %dma_wait3A_298 : memref<1x160x128xf32, #tpu.memory_space<vmem>> -> memref<160x128xf32, #tpu.memory_space<vmem>>
          %dma_wait3A_300 = arith.constant 0 : i32
          %dma_wait3A_301 = arith.constant 0 : i32
          %dma_wait3A_302 = tpu.memref_slice %arg4[%dma_wait3A_300, %dma_wait3A_301] : memref<819200x128xf32, #tpu.memory_space<hbm>> -> memref<160x128xf32, #tpu.memory_space<hbm>>
          tpu.wait_dma2 semaphore(%arg12 : memref<!tpu.dma_semaphore, #tpu.memory_space<semaphore_mem>>) src(%dma_wait3A_302 : memref<160x128xf32, #tpu.memory_space<hbm>>) dst(%dma_wait3A_299 : memref<160x128xf32, #tpu.memory_space<vmem>>)
        } else {
        }
        %mul3A_277 = arith.constant 160 : i32
        %mul3A_278 = arith.muli %sub3A_192, %mul3A_277 : i32
        %dma_start3A_279 = arith.constant 1 : i32
        %dma_start3A_280 = arith.constant 0 : i32
        %dma_start3A_281 = arith.constant 0 : i32
        %dma_start3A_282 = tpu.memref_slice %arg6[%dma_start3A_279, %dma_start3A_280, %dma_start3A_281] : memref<4x160x128xf32, #tpu.memory_space<vmem>> -> memref<1x160x128xf32, #tpu.memory_space<vmem>>
        %dma_start3A_283 = tpu.memref_squeeze %dma_start3A_282 : memref<1x160x128xf32, #tpu.memory_space<vmem>> -> memref<160x128xf32, #tpu.memory_space<vmem>>
        %dma_start3A_284 = tpu.memref_slice %arg5[%mul3A_278] : memref<25600xi32, #tpu.memory_space<vmem>> -> memref<160xi32, #tpu.memory_space<vmem>>
        %dma_start3A_285 = arith.constant 0 : i32
        %dma_start3A_286 = arith.constant 0 : i32
        %dma_start3A_287 = tpu.memref_slice %arg3[%dma_start3A_285, %dma_start3A_286] : memref<100000x128xf32, #tpu.memory_space<hbm>> -> memref<100000x128xf32, #tpu.memory_space<hbm>>
        tpu.enqueue_indirect_dma source(%dma_start3A_287 : memref<100000x128xf32, #tpu.memory_space<hbm>>) target(%dma_start3A_283 : memref<160x128xf32, #tpu.memory_space<vmem>>) offsets(%dma_start3A_284 : memref<160xi32, #tpu.memory_space<vmem>>) semaphore(%arg8 : memref<!tpu.dma_semaphore, #tpu.memory_space<semaphore_mem>>)
      } else {
      }
      %dma_wait3A_198 = arith.constant 0 : i32
      %dma_wait3A_199 = arith.constant 0 : i32
      %dma_wait3A_200 = arith.constant 0 : i32
      %dma_wait3A_201 = tpu.memref_slice %arg6[%dma_wait3A_198, %dma_wait3A_199, %dma_wait3A_200] : memref<4x160x128xf32, #tpu.memory_space<vmem>> -> memref<1x160x128xf32, #tpu.memory_space<vmem>>
      %dma_wait3A_202 = tpu.memref_squeeze %dma_wait3A_201 : memref<1x160x128xf32, #tpu.memory_space<vmem>> -> memref<160x128xf32, #tpu.memory_space<vmem>>
      %dma_wait3A_203 = arith.constant 0 : i32
      %dma_wait3A_204 = arith.constant 0 : i32
      %dma_wait3A_205 = tpu.memref_slice %arg4[%dma_wait3A_203, %dma_wait3A_204] : memref<819200x128xf32, #tpu.memory_space<hbm>> -> memref<160x128xf32, #tpu.memory_space<hbm>>
      %dma_wait3A_206 = arith.constant 0 : i32
      %dma_wait3A_207 = arith.constant 0 : i32
      %dma_wait3A_208 = tpu.memref_slice %arg6[%dma_wait3A_198, %dma_wait3A_206, %dma_wait3A_207] : memref<4x160x128xf32, #tpu.memory_space<vmem>> -> memref<1x160x128xf32, #tpu.memory_space<vmem>>
      %dma_wait3A_209 = tpu.memref_squeeze %dma_wait3A_208 : memref<1x160x128xf32, #tpu.memory_space<vmem>> -> memref<160x128xf32, #tpu.memory_space<vmem>>
      %dma_wait3A_210 = arith.constant 0 : i32
      %dma_wait3A_211 = arith.constant 0 : i32
      %dma_wait3A_212 = tpu.memref_slice %arg4[%dma_wait3A_210, %dma_wait3A_211] : memref<819200x128xf32, #tpu.memory_space<hbm>> -> memref<160x128xf32, #tpu.memory_space<hbm>>
      tpu.wait_dma2 semaphore(%arg9 : memref<!tpu.dma_semaphore, #tpu.memory_space<semaphore_mem>>) src(%dma_wait3A_212 : memref<160x128xf32, #tpu.memory_space<hbm>>) dst(%dma_wait3A_209 : memref<160x128xf32, #tpu.memory_space<vmem>>)
      %mul3A_213 = arith.constant 160 : i32
      %mul3A_214 = arith.muli %add3A_188, %mul3A_213 : i32
      %add3A_215 = arith.addi %mul3A_2, %mul3A_214 : i32
      %dma_start3A_216 = arith.constant 2 : i32
      %dma_start3A_217 = arith.constant 0 : i32
      %dma_start3A_218 = arith.constant 0 : i32
      %dma_start3A_219 = tpu.memref_slice %arg6[%dma_start3A_216, %dma_start3A_217, %dma_start3A_218] : memref<4x160x128xf32, #tpu.memory_space<vmem>> -> memref<1x160x128xf32, #tpu.memory_space<vmem>>
      %dma_start3A_220 = tpu.memref_squeeze %dma_start3A_219 : memref<1x160x128xf32, #tpu.memory_space<vmem>> -> memref<160x128xf32, #tpu.memory_space<vmem>>
      %dma_start3A_221 = arith.constant 0 : i32
      %dma_start3A_222 = tpu.memref_slice %arg4[%add3A_215, %dma_start3A_221] : memref<819200x128xf32, #tpu.memory_space<hbm>> -> memref<160x128xf32, #tpu.memory_space<hbm>>
      %dma_start3A_223 = arith.constant 0 : i32
      %dma_start3A_224 = tpu.memref_slice %arg4[%add3A_215, %dma_start3A_223] : memref<819200x128xf32, #tpu.memory_space<hbm>> -> memref<160x128xf32, #tpu.memory_space<hbm>>
      %dma_start3A_225 = arith.constant 0 : i32
      %dma_start3A_226 = arith.constant 0 : i32
      %dma_start3A_227 = tpu.memref_slice %arg6[%dma_start3A_216, %dma_start3A_225, %dma_start3A_226] : memref<4x160x128xf32, #tpu.memory_space<vmem>> -> memref<1x160x128xf32, #tpu.memory_space<vmem>>
      %dma_start3A_228 = tpu.memref_squeeze %dma_start3A_227 : memref<1x160x128xf32, #tpu.memory_space<vmem>> -> memref<160x128xf32, #tpu.memory_space<vmem>>
      tpu.enqueue_dma source(%dma_start3A_228 : memref<160x128xf32, #tpu.memory_space<vmem>>) target(%dma_start3A_224 : memref<160x128xf32, #tpu.memory_space<hbm>>) target_semaphore(%arg13 : memref<!tpu.dma_semaphore, #tpu.memory_space<semaphore_mem>>)
      %mul3A_229 = arith.constant 4 : i32
      %mul3A_230 = arith.muli %scan3A_100, %mul3A_229 : i32
      %add3A_231 = arith.constant 3 : i32
      %add3A_232 = arith.addi %mul3A_230, %add3A_231 : i32
      %add3A_233 = arith.constant 4 : i32
      %add3A_234 = arith.addi %add3A_232, %add3A_233 : i32
      %sub3A_235 = arith.constant 1 : i32
      %sub3A_236 = arith.subi %add3A_234, %sub3A_235 : i32
      %lt3A_237 = arith.constant 160 : i32
      %lt3A_238 = arith.cmpi slt, %sub3A_236, %lt3A_237 : i32
      %convert_element_type3A_239 = arith.extui %lt3A_238 : i1 to i32
      %cond3A_240 = arith.constant 0 : i32
      %cond3A_241 = arith.cmpi ne, %convert_element_type3A_239, %cond3A_240 : i32
      scf.if %cond3A_241 {
        %ge3A = arith.constant 1 : i32
        %ge3A_273 = arith.cmpi sge, %add3A_232, %ge3A : i32
        %convert_element_type3A_274 = arith.extui %ge3A_273 : i1 to i32
        %cond3A_275 = arith.constant 0 : i32
        %cond3A_276 = arith.cmpi ne, %convert_element_type3A_274, %cond3A_275 : i32
        scf.if %cond3A_276 {
          %dma_wait3A_288 = arith.constant 0 : i32
          %dma_wait3A_289 = arith.constant 0 : i32
          %dma_wait3A_290 = arith.constant 0 : i32
          %dma_wait3A_291 = tpu.memref_slice %arg6[%dma_wait3A_288, %dma_wait3A_289, %dma_wait3A_290] : memref<4x160x128xf32, #tpu.memory_space<vmem>> -> memref<1x160x128xf32, #tpu.memory_space<vmem>>
          %dma_wait3A_292 = tpu.memref_squeeze %dma_wait3A_291 : memref<1x160x128xf32, #tpu.memory_space<vmem>> -> memref<160x128xf32, #tpu.memory_space<vmem>>
          %dma_wait3A_293 = arith.constant 0 : i32
          %dma_wait3A_294 = arith.constant 0 : i32
          %dma_wait3A_295 = tpu.memref_slice %arg4[%dma_wait3A_293, %dma_wait3A_294] : memref<819200x128xf32, #tpu.memory_space<hbm>> -> memref<160x128xf32, #tpu.memory_space<hbm>>
          %dma_wait3A_296 = arith.constant 0 : i32
          %dma_wait3A_297 = arith.constant 0 : i32
          %dma_wait3A_298 = tpu.memref_slice %arg6[%dma_wait3A_288, %dma_wait3A_296, %dma_wait3A_297] : memref<4x160x128xf32, #tpu.memory_space<vmem>> -> memref<1x160x128xf32, #tpu.memory_space<vmem>>
          %dma_wait3A_299 = tpu.memref_squeeze %dma_wait3A_298 : memref<1x160x128xf32, #tpu.memory_space<vmem>> -> memref<160x128xf32, #tpu.memory_space<vmem>>
          %dma_wait3A_300 = arith.constant 0 : i32
          %dma_wait3A_301 = arith.constant 0 : i32
          %dma_wait3A_302 = tpu.memref_slice %arg4[%dma_wait3A_300, %dma_wait3A_301] : memref<819200x128xf32, #tpu.memory_space<hbm>> -> memref<160x128xf32, #tpu.memory_space<hbm>>
          tpu.wait_dma2 semaphore(%arg13 : memref<!tpu.dma_semaphore, #tpu.memory_space<semaphore_mem>>) src(%dma_wait3A_302 : memref<160x128xf32, #tpu.memory_space<hbm>>) dst(%dma_wait3A_299 : memref<160x128xf32, #tpu.memory_space<vmem>>)
        } else {
        }
        %mul3A_277 = arith.constant 160 : i32
        %mul3A_278 = arith.muli %sub3A_236, %mul3A_277 : i32
        %dma_start3A_279 = arith.constant 2 : i32
        %dma_start3A_280 = arith.constant 0 : i32
        %dma_start3A_281 = arith.constant 0 : i32
        %dma_start3A_282 = tpu.memref_slice %arg6[%dma_start3A_279, %dma_start3A_280, %dma_start3A_281] : memref<4x160x128xf32, #tpu.memory_space<vmem>> -> memref<1x160x128xf32, #tpu.memory_space<vmem>>
        %dma_start3A_283 = tpu.memref_squeeze %dma_start3A_282 : memref<1x160x128xf32, #tpu.memory_space<vmem>> -> memref<160x128xf32, #tpu.memory_space<vmem>>
        %dma_start3A_284 = tpu.memref_slice %arg5[%mul3A_278] : memref<25600xi32, #tpu.memory_space<vmem>> -> memref<160xi32, #tpu.memory_space<vmem>>
        %dma_start3A_285 = arith.constant 0 : i32
        %dma_start3A_286 = arith.constant 0 : i32
        %dma_start3A_287 = tpu.memref_slice %arg3[%dma_start3A_285, %dma_start3A_286] : memref<100000x128xf32, #tpu.memory_space<hbm>> -> memref<100000x128xf32, #tpu.memory_space<hbm>>
        tpu.enqueue_indirect_dma source(%dma_start3A_287 : memref<100000x128xf32, #tpu.memory_space<hbm>>) target(%dma_start3A_283 : memref<160x128xf32, #tpu.memory_space<vmem>>) offsets(%dma_start3A_284 : memref<160xi32, #tpu.memory_space<vmem>>) semaphore(%arg9 : memref<!tpu.dma_semaphore, #tpu.memory_space<semaphore_mem>>)
      } else {
      }
      %dma_wait3A_242 = arith.constant 0 : i32
      %dma_wait3A_243 = arith.constant 0 : i32
      %dma_wait3A_244 = arith.constant 0 : i32
      %dma_wait3A_245 = tpu.memref_slice %arg6[%dma_wait3A_242, %dma_wait3A_243, %dma_wait3A_244] : memref<4x160x128xf32, #tpu.memory_space<vmem>> -> memref<1x160x128xf32, #tpu.memory_space<vmem>>
      %dma_wait3A_246 = tpu.memref_squeeze %dma_wait3A_245 : memref<1x160x128xf32, #tpu.memory_space<vmem>> -> memref<160x128xf32, #tpu.memory_space<vmem>>
      %dma_wait3A_247 = arith.constant 0 : i32
      %dma_wait3A_248 = arith.constant 0 : i32
      %dma_wait3A_249 = tpu.memref_slice %arg4[%dma_wait3A_247, %dma_wait3A_248] : memref<819200x128xf32, #tpu.memory_space<hbm>> -> memref<160x128xf32, #tpu.memory_space<hbm>>
      %dma_wait3A_250 = arith.constant 0 : i32
      %dma_wait3A_251 = arith.constant 0 : i32
      %dma_wait3A_252 = tpu.memref_slice %arg6[%dma_wait3A_242, %dma_wait3A_250, %dma_wait3A_251] : memref<4x160x128xf32, #tpu.memory_space<vmem>> -> memref<1x160x128xf32, #tpu.memory_space<vmem>>
      %dma_wait3A_253 = tpu.memref_squeeze %dma_wait3A_252 : memref<1x160x128xf32, #tpu.memory_space<vmem>> -> memref<160x128xf32, #tpu.memory_space<vmem>>
      %dma_wait3A_254 = arith.constant 0 : i32
      %dma_wait3A_255 = arith.constant 0 : i32
      %dma_wait3A_256 = tpu.memref_slice %arg4[%dma_wait3A_254, %dma_wait3A_255] : memref<819200x128xf32, #tpu.memory_space<hbm>> -> memref<160x128xf32, #tpu.memory_space<hbm>>
      tpu.wait_dma2 semaphore(%arg10 : memref<!tpu.dma_semaphore, #tpu.memory_space<semaphore_mem>>) src(%dma_wait3A_256 : memref<160x128xf32, #tpu.memory_space<hbm>>) dst(%dma_wait3A_253 : memref<160x128xf32, #tpu.memory_space<vmem>>)
      %mul3A_257 = arith.constant 160 : i32
      %mul3A_258 = arith.muli %add3A_232, %mul3A_257 : i32
      %add3A_259 = arith.addi %mul3A_2, %mul3A_258 : i32
      %dma_start3A_260 = arith.constant 3 : i32
      %dma_start3A_261 = arith.constant 0 : i32
      %dma_start3A_262 = arith.constant 0 : i32
      %dma_start3A_263 = tpu.memref_slice %arg6[%dma_start3A_260, %dma_start3A_261, %dma_start3A_262] : memref<4x160x128xf32, #tpu.memory_space<vmem>> -> memref<1x160x128xf32, #tpu.memory_space<vmem>>
      %dma_start3A_264 = tpu.memref_squeeze %dma_start3A_263 : memref<1x160x128xf32, #tpu.memory_space<vmem>> -> memref<160x128xf32, #tpu.memory_space<vmem>>
      %dma_start3A_265 = arith.constant 0 : i32
      %dma_start3A_266 = tpu.memref_slice %arg4[%add3A_259, %dma_start3A_265] : memref<819200x128xf32, #tpu.memory_space<hbm>> -> memref<160x128xf32, #tpu.memory_space<hbm>>
      %dma_start3A_267 = arith.constant 0 : i32
      %dma_start3A_268 = tpu.memref_slice %arg4[%add3A_259, %dma_start3A_267] : memref<819200x128xf32, #tpu.memory_space<hbm>> -> memref<160x128xf32, #tpu.memory_space<hbm>>
      %dma_start3A_269 = arith.constant 0 : i32
      %dma_start3A_270 = arith.constant 0 : i32
      %dma_start3A_271 = tpu.memref_slice %arg6[%dma_start3A_260, %dma_start3A_269, %dma_start3A_270] : memref<4x160x128xf32, #tpu.memory_space<vmem>> -> memref<1x160x128xf32, #tpu.memory_space<vmem>>
      %dma_start3A_272 = tpu.memref_squeeze %dma_start3A_271 : memref<1x160x128xf32, #tpu.memory_space<vmem>> -> memref<160x128xf32, #tpu.memory_space<vmem>>
      tpu.enqueue_dma source(%dma_start3A_272 : memref<160x128xf32, #tpu.memory_space<vmem>>) target(%dma_start3A_268 : memref<160x128xf32, #tpu.memory_space<hbm>>) target_semaphore(%arg14 : memref<!tpu.dma_semaphore, #tpu.memory_space<semaphore_mem>>)
    }
    %scan3A_39 = arith.constant 40 : i32
    %dma_wait3A_40 = arith.constant 0 : i32
    %dma_wait3A_41 = arith.constant 0 : i32
    %dma_wait3A_42 = arith.constant 0 : i32
    %dma_wait3A_43 = tpu.memref_slice %arg6[%dma_wait3A_40, %dma_wait3A_41, %dma_wait3A_42] : memref<4x160x128xf32, #tpu.memory_space<vmem>> -> memref<1x160x128xf32, #tpu.memory_space<vmem>>
    %dma_wait3A_44 = tpu.memref_squeeze %dma_wait3A_43 : memref<1x160x128xf32, #tpu.memory_space<vmem>> -> memref<160x128xf32, #tpu.memory_space<vmem>>
    %dma_wait3A_45 = arith.constant 0 : i32
    %dma_wait3A_46 = arith.constant 0 : i32
    %dma_wait3A_47 = tpu.memref_slice %arg4[%dma_wait3A_45, %dma_wait3A_46] : memref<819200x128xf32, #tpu.memory_space<hbm>> -> memref<160x128xf32, #tpu.memory_space<hbm>>
    %dma_wait3A_48 = arith.constant 0 : i32
    %dma_wait3A_49 = arith.constant 0 : i32
    %dma_wait3A_50 = tpu.memref_slice %arg6[%dma_wait3A_40, %dma_wait3A_48, %dma_wait3A_49] : memref<4x160x128xf32, #tpu.memory_space<vmem>> -> memref<1x160x128xf32, #tpu.memory_space<vmem>>
    %dma_wait3A_51 = tpu.memref_squeeze %dma_wait3A_50 : memref<1x160x128xf32, #tpu.memory_space<vmem>> -> memref<160x128xf32, #tpu.memory_space<vmem>>
    %dma_wait3A_52 = arith.constant 0 : i32
    %dma_wait3A_53 = arith.constant 0 : i32
    %dma_wait3A_54 = tpu.memref_slice %arg4[%dma_wait3A_52, %dma_wait3A_53] : memref<819200x128xf32, #tpu.memory_space<hbm>> -> memref<160x128xf32, #tpu.memory_space<hbm>>
    tpu.wait_dma2 semaphore(%arg11 : memref<!tpu.dma_semaphore, #tpu.memory_space<semaphore_mem>>) src(%dma_wait3A_54 : memref<160x128xf32, #tpu.memory_space<hbm>>) dst(%dma_wait3A_51 : memref<160x128xf32, #tpu.memory_space<vmem>>)
    %dma_wait3A_55 = arith.constant 0 : i32
    %dma_wait3A_56 = arith.constant 0 : i32
    %dma_wait3A_57 = arith.constant 0 : i32
    %dma_wait3A_58 = tpu.memref_slice %arg6[%dma_wait3A_55, %dma_wait3A_56, %dma_wait3A_57] : memref<4x160x128xf32, #tpu.memory_space<vmem>> -> memref<1x160x128xf32, #tpu.memory_space<vmem>>
    %dma_wait3A_59 = tpu.memref_squeeze %dma_wait3A_58 : memref<1x160x128xf32, #tpu.memory_space<vmem>> -> memref<160x128xf32, #tpu.memory_space<vmem>>
    %dma_wait3A_60 = arith.constant 0 : i32
    %dma_wait3A_61 = arith.constant 0 : i32
    %dma_wait3A_62 = tpu.memref_slice %arg4[%dma_wait3A_60, %dma_wait3A_61] : memref<819200x128xf32, #tpu.memory_space<hbm>> -> memref<160x128xf32, #tpu.memory_space<hbm>>
    %dma_wait3A_63 = arith.constant 0 : i32
    %dma_wait3A_64 = arith.constant 0 : i32
    %dma_wait3A_65 = tpu.memref_slice %arg6[%dma_wait3A_55, %dma_wait3A_63, %dma_wait3A_64] : memref<4x160x128xf32, #tpu.memory_space<vmem>> -> memref<1x160x128xf32, #tpu.memory_space<vmem>>
    %dma_wait3A_66 = tpu.memref_squeeze %dma_wait3A_65 : memref<1x160x128xf32, #tpu.memory_space<vmem>> -> memref<160x128xf32, #tpu.memory_space<vmem>>
    %dma_wait3A_67 = arith.constant 0 : i32
    %dma_wait3A_68 = arith.constant 0 : i32
    %dma_wait3A_69 = tpu.memref_slice %arg4[%dma_wait3A_67, %dma_wait3A_68] : memref<819200x128xf32, #tpu.memory_space<hbm>> -> memref<160x128xf32, #tpu.memory_space<hbm>>
    tpu.wait_dma2 semaphore(%arg12 : memref<!tpu.dma_semaphore, #tpu.memory_space<semaphore_mem>>) src(%dma_wait3A_69 : memref<160x128xf32, #tpu.memory_space<hbm>>) dst(%dma_wait3A_66 : memref<160x128xf32, #tpu.memory_space<vmem>>)
    %dma_wait3A_70 = arith.constant 0 : i32
    %dma_wait3A_71 = arith.constant 0 : i32
    %dma_wait3A_72 = arith.constant 0 : i32
    %dma_wait3A_73 = tpu.memref_slice %arg6[%dma_wait3A_70, %dma_wait3A_71, %dma_wait3A_72] : memref<4x160x128xf32, #tpu.memory_space<vmem>> -> memref<1x160x128xf32, #tpu.memory_space<vmem>>
    %dma_wait3A_74 = tpu.memref_squeeze %dma_wait3A_73 : memref<1x160x128xf32, #tpu.memory_space<vmem>> -> memref<160x128xf32, #tpu.memory_space<vmem>>
    %dma_wait3A_75 = arith.constant 0 : i32
    %dma_wait3A_76 = arith.constant 0 : i32
    %dma_wait3A_77 = tpu.memref_slice %arg4[%dma_wait3A_75, %dma_wait3A_76] : memref<819200x128xf32, #tpu.memory_space<hbm>> -> memref<160x128xf32, #tpu.memory_space<hbm>>
    %dma_wait3A_78 = arith.constant 0 : i32
    %dma_wait3A_79 = arith.constant 0 : i32
    %dma_wait3A_80 = tpu.memref_slice %arg6[%dma_wait3A_70, %dma_wait3A_78, %dma_wait3A_79] : memref<4x160x128xf32, #tpu.memory_space<vmem>> -> memref<1x160x128xf32, #tpu.memory_space<vmem>>
    %dma_wait3A_81 = tpu.memref_squeeze %dma_wait3A_80 : memref<1x160x128xf32, #tpu.memory_space<vmem>> -> memref<160x128xf32, #tpu.memory_space<vmem>>
    %dma_wait3A_82 = arith.constant 0 : i32
    %dma_wait3A_83 = arith.constant 0 : i32
    %dma_wait3A_84 = tpu.memref_slice %arg4[%dma_wait3A_82, %dma_wait3A_83] : memref<819200x128xf32, #tpu.memory_space<hbm>> -> memref<160x128xf32, #tpu.memory_space<hbm>>
    tpu.wait_dma2 semaphore(%arg13 : memref<!tpu.dma_semaphore, #tpu.memory_space<semaphore_mem>>) src(%dma_wait3A_84 : memref<160x128xf32, #tpu.memory_space<hbm>>) dst(%dma_wait3A_81 : memref<160x128xf32, #tpu.memory_space<vmem>>)
    %dma_wait3A_85 = arith.constant 0 : i32
    %dma_wait3A_86 = arith.constant 0 : i32
    %dma_wait3A_87 = arith.constant 0 : i32
    %dma_wait3A_88 = tpu.memref_slice %arg6[%dma_wait3A_85, %dma_wait3A_86, %dma_wait3A_87] : memref<4x160x128xf32, #tpu.memory_space<vmem>> -> memref<1x160x128xf32, #tpu.memory_space<vmem>>
    %dma_wait3A_89 = tpu.memref_squeeze %dma_wait3A_88 : memref<1x160x128xf32, #tpu.memory_space<vmem>> -> memref<160x128xf32, #tpu.memory_space<vmem>>
    %dma_wait3A_90 = arith.constant 0 : i32
    %dma_wait3A_91 = arith.constant 0 : i32
    %dma_wait3A_92 = tpu.memref_slice %arg4[%dma_wait3A_90, %dma_wait3A_91] : memref<819200x128xf32, #tpu.memory_space<hbm>> -> memref<160x128xf32, #tpu.memory_space<hbm>>
    %dma_wait3A_93 = arith.constant 0 : i32
    %dma_wait3A_94 = arith.constant 0 : i32
    %dma_wait3A_95 = tpu.memref_slice %arg6[%dma_wait3A_85, %dma_wait3A_93, %dma_wait3A_94] : memref<4x160x128xf32, #tpu.memory_space<vmem>> -> memref<1x160x128xf32, #tpu.memory_space<vmem>>
    %dma_wait3A_96 = tpu.memref_squeeze %dma_wait3A_95 : memref<1x160x128xf32, #tpu.memory_space<vmem>> -> memref<160x128xf32, #tpu.memory_space<vmem>>
    %dma_wait3A_97 = arith.constant 0 : i32
    %dma_wait3A_98 = arith.constant 0 : i32
    %dma_wait3A_99 = tpu.memref_slice %arg4[%dma_wait3A_97, %dma_wait3A_98] : memref<819200x128xf32, #tpu.memory_space<hbm>> -> memref<160x128xf32, #tpu.memory_space<hbm>>
    tpu.wait_dma2 semaphore(%arg14 : memref<!tpu.dma_semaphore, #tpu.memory_space<semaphore_mem>>) src(%dma_wait3A_99 : memref<160x128xf32, #tpu.memory_space<hbm>>) dst(%dma_wait3A_96 : memref<160x128xf32, #tpu.memory_space<vmem>>)
    return
  }
}

</mosaic_0001>

<sc_bundles>
// kernel: kernel.3.cloned.1.call-start
scs
__scs_entry_jumppad:
0x0: {  	(pc) =	sbr.rel $0x88, $3  }
0x1: {  	(tag) =	ssettag $0x0;
	lr =	simm.s32 $0x1  }
0x2: {  	[smem:$0x3F9F] =	sst lr;
	_ =	strace $0xD0000000  }
0x3: {  	_ = 	snop  }
0x4: {  	_ = 	snop  }
0x5: {  	_ = 	snop  }
0x6: {  	_ = 	snop  }
0x7: {  	_ = 	snop  }
__scs_overlays_trampoline_lowered:
0x8: {  	[smem:$0x3FAE] =	sst s0  }
0x9: {  	[smem:$0x3FAF] =	sst s1  }
0xa: {  	[smem:$0x3FB0] =	sst s2  }
0xb: {  	[smem:$0x3FB1] =	sst s3  }
0xc: {  	[smem:$0x3FB2] =	sst s4  }
0xd: {  	[smem:$0x3FB3] =	sst s5  }
0xe: {  	[smem:$0x3FB4] =	sst s6  }
0xf: {  	[smem:$0x3FB5] =	sst s7  }
0x10: {  	[smem:$0x3FB6] =	sst s8  }
0x11: {  	[smem:$0x3FB7] =	sst s9;
	s0 =	simm.s32 @!p0 $0x0  }
0x12: {  	s1 =	sld [smem:$0x3F9D];
	s0 =	simm.s32 @p0 $0x1  }
0x13: {  	[smem:$0x3FB8] =	sst s0;
	s0 =	simm.s32 @!p1 $0x0  }
0x14: {  	s2 =	sld [smem:$0x3F9C];
	s0 =	simm.s32 @p1 $0x1  }
0x15: {  	[smem:$0x3FB9] =	sst s0;
	s0 =	simm.s32 @!p2 $0x0  }
0x16: {  	s3 =	sld [smem:$0x3FDB];
	s0 =	simm.s32 @p2 $0x1  }
0x17: {  	s4 =	simm.s32 $0x1BF5;
	[smem:$0x3FBB] =	sst s0  }
0x18: {  	s0 =	sld [smem:$0x3F9E];
	_ =	swait.ge [sflag:s4], $0x0  }
0x19: {  	s7 =	sld [smem:$0x3F9F]  }
0x1a: {  	s8 =	sadd.s32 $0xFFFFE003, lr  }
0x1b: {  	s9 =	sadd.s32 $0xFFFFFEF7, lr;
	s5 =	simm.s32 $0xFFFFFFFF;
	p2 =	slt.u32 s8, $0xFFFFF086  }
0x1c: {  	p1 =	slt.u32 s9, $0xF7A;
	s5 =	simm.s32 @!p2 $0x0  }
0x1d: {  	s5 =	simm.s32 @p1 $0x1;
	p0 =	seq.s32 s7, s2  }
0x1e: {  	s7 =	smul.u32 @!p0 $0xF7A, s2;
	p2 =	seq.s32 @!p0 s5, $0x0  }
0x1f: {  	s9 =	smul.u32 $0xF7A, s1;
	s8 =	simm.s32 @!p0 $0x1BF5;
	p2 =	por !p2, p0  }
0x20: {  	[sflag:s8] =	ssyncset.s32 @!p0 $0xFFFFF086;
	s6 =	sadd.s32 @!p0 s3, s7;
	s7 =	simm.s32 @!p0 $0x108  }
0x21: {  	s3 =	sadd.s32 s3, s9;
	s6 =	sadd.s32 @!p0 $0x88, s6;
	s7 =	simm.s32 @p2 $0x1082  }
0x22: {  	[simem:s7], [sflag:s8] =	dma.local @!p0 [hbm:s6], $0xF7A  }
0x23: {  	s9 =	sor.u32 $0xD0000000, s2;
	s6 =	simm.s32 $0x108;
	_ =	swait.ge @!p0 [sflag:s8], $0x0  }
0x24: {  	s3 =	sadd.s32 $0x88, s3;
	s6 =	simm.s32 @!p1 $0x1082;
	[sflag:s4] =	ssyncset.s32 $0xFFFFF086  }
0x25: {  	[simem:s6], [sflag:s4] =	dma.local [hbm:s3], $0xF7A  }
0x26: {  	[smem:$0x3F9F] =	sst s1;
	(tag) =	ssettag s2;
	_ =	strace s9  }
0x27: {  	s1 =	sld [smem:$0x3FAF]  }
0x28: {  	s2 =	sld [smem:$0x3FB0]  }
0x29: {  	s4 =	sld [smem:$0x3FB2]  }
0x2a: {  	p0 =	seq.s32 s5, $0x0;
	s5 =	sld [smem:$0x3FB3]  }
0x2b: {  	s6 =	sld [smem:$0x3FB4]  }
0x2c: {  	s7 =	sld [smem:$0x3FB5]  }
0x2d: {  	s3 =	simm.s32 $0x108;
	s8 =	sld [smem:$0x3FB6]  }
0x2e: {  	s3 =	simm.s32 @!p0 $0x1082;
	s9 =	sld [smem:$0x3FB7]  }
0x2f: {  	lr =	sadd.s32 s0, s3;
	s0 =	sld [smem:$0x3FAE]  }
0x30: {  	s3 =	sld [smem:$0x3FB1]  }
0x31: {  	[smem:$0x3FBA] =	sst s10  }
0x32: {  	s10 =	sld [smem:$0x3FB8];
	_ =	sdelay $0x3  }
0x33: {  	p0 =	seq.s32 s10, $0x1;
	s10 =	sld [smem:$0x3FBA];
	_ =	sdelay $0x3  }
0x34: {  	[smem:$0x3FBA] =	sst s10  }
0x35: {  	s10 =	sld [smem:$0x3FB9];
	_ =	sdelay $0x3  }
0x36: {  	p1 =	seq.s32 s10, $0x1;
	s10 =	sld [smem:$0x3FBA];
	_ =	sdelay $0x3  }
0x37: {  	[smem:$0x3FBA] =	sst s10  }
0x38: {  	s10 =	sld [smem:$0x3FBB]  }
0x39: {  	_ = 	snop;
	(pc) =	sbr.ind lr, $3  }
0x3a: {  	_ = 	snop  }
0x3b: {  	_ = 	snop  }
0x3c: {  	p2 =	seq.s32 s10, $0x1;
	s10 =	sld [smem:$0x3FBA]  }
0x3d: {  	_ =	shalt  }
0x3e: {  	_ =	shalt  }
0x3f: {  	_ =	shalt  }
0x40: {  	_ =	shalt  }
0x41: {  	_ =	shalt  }
0x42: {  	_ =	shalt  }
0x43: {  	_ =	shalt  }
0x44: {  	_ =	shalt  }
0x45: {  	_ =	shalt  }
0x46: {  	_ =	shalt  }
0x47: {  	_ =	shalt  }
0x48: {  	_ =	shalt  }
0x49: {  	_ =	shalt  }
0x4a: {  	_ =	shalt  }
0x4b: {  	_ =	shalt  }
0x4c: {  	_ =	shalt  }
0x4d: {  	_ =	shalt  }
0x4e: {  	_ =	shalt  }
0x4f: {  	_ =	shalt  }
0x50: {  	_ =	shalt  }
0x51: {  	_ =	shalt  }
0x52: {  	_ =	shalt  }
0x53: {  	_ =	shalt  }
0x54: {  	_ =	shalt  }
0x55: {  	_ =	shalt  }
0x56: {  	_ =	shalt  }
0x57: {  	_ =	shalt  }
0x58: {  	_ =	shalt  }
0x59: {  	_ =	shalt  }
0x5a: {  	_ =	shalt  }
0x5b: {  	_ =	shalt  }
0x5c: {  	_ =	shalt  }
0x5d: {  	_ =	shalt  }
0x5e: {  	_ =	shalt  }
0x5f: {  	_ =	shalt  }
0x60: {  	_ =	shalt  }
0x61: {  	_ =	shalt  }
0x62: {  	_ =	shalt  }
0x63: {  	_ =	shalt  }
0x64: {  	_ =	shalt  }
0x65: {  	_ =	shalt  }
0x66: {  	_ =	shalt  }
0x67: {  	_ =	shalt  }
0x68: {  	_ =	shalt  }
0x69: {  	_ =	shalt  }
0x6a: {  	_ =	shalt  }
0x6b: {  	_ =	shalt  }
0x6c: {  	_ =	shalt  }
0x6d: {  	_ =	shalt  }
0x6e: {  	_ =	shalt  }
0x6f: {  	_ =	shalt  }
0x70: {  	_ =	shalt  }
0x71: {  	_ =	shalt  }
0x72: {  	_ =	shalt  }
0x73: {  	_ =	shalt  }
0x74: {  	_ =	shalt  }
0x75: {  	_ =	shalt  }
0x76: {  	_ =	shalt  }
0x77: {  	_ =	shalt  }
0x78: {  	_ =	shalt  }
0x79: {  	_ =	shalt  }
0x7a: {  	_ =	shalt  }
0x7b: {  	_ =	shalt  }
0x7c: {  	_ =	shalt  }
0x7d: {  	_ =	shalt  }
0x7e: {  	_ =	shalt  }
0x7f: {  	_ =	shalt  }
0x80: {  	_ =	shalt  }
0x81: {  	_ =	shalt  }
0x82: {  	_ =	shalt  }
0x83: {  	_ =	shalt  }
0x84: {  	_ =	shalt  }
0x85: {  	_ =	shalt  }
0x86: {  	_ =	shalt  }
0x87: {  	_ =	shalt  }
.Lfunc_end0:
.L_simem_size_0:
called_computation_lowered:
.L_overlay_start_0:
0x88: {  	s2 =	sld [smem:$0x3FD9]  }
0x89: {  	s3 =	sld [smem:$0x3FFE];
	_ =	sdelay $0x1  }
0x8a: {  	s1 =	srdreg.scid  }
0x8b: {  	s0 =	sand.u32 $0x1, s1  }
0x8c: {  	s17 =	sshll.u32 s0, $0xA;
	s2 =	sadd.s32 s3, s2  }
0x8d: {  	s2 =	sadd.s32 s2, s17  }
0x8e: {  	[smem:$0x3FC6] =	sst s2  }
0x8f: {  	_ = 	snop  }
0x90: {  	s2 =	sld [smem:$0x3FC8]  }
0x91: {  	s18 =	sld [smem:$0x3FD0];
	(tm) =	ssettm $0x1  }
0x92: {  	s4 =	sld [smem:$0x3FFB];
	_ =	sdelay $0x3  }
0x93: {  	_ =	strace s4  }
0x94: {  	s4 =	sld [smem:$0x3FFC];
	_ =	sdelay $0x3  }
0x95: {  	_ =	strace s4  }
0x96: {  	s4 =	sld [smem:$0x3FFD];
	_ =	sdelay $0x3  }
0x97: {  	_ =	strace s4  }
0x98: {  	_ =	strace $0x8FFFFFFF  }
0x99: {  	s19 =	sld [smem:$0x3FDB];
	_ =	sdelay $0x1  }
0x9a: {  	s5 =	simm.s32 $_scs_section_size  }
0x9b: {  	s6 =	simm.s32 $_size__tile_overlayer_lowered;
	s7 =	simm.s32 $_tile_overlayer_lowered  }
0x9c: {  	s22 =	simm.s32 $0x1BFF;
	s21 =	sshll.u32 s7, $0x1;
	s4 =	sadd.s32 s5, s19  }
0x9d: {  	s8 =	simm.s32 $0x0;
	s20 =	sshll.u32 s6, $0x1;
	s6 =	sadd.s32 s21, s4  }
0x9e: {  	[timem:s8], [sflag:s22] =	dma.local [hbm:s6], s20  }
0x9f: {  	_ =	swait.ge [sflag:s22], s20  }
0xa0: {  	s5 =	ssub.s32 $0x0, s20;
	[sflag:s22] =	ssyncset.done $0x0  }
0xa1: {  	[sflag:s22] =	ssyncadd.s32 s5;
	_ =	sdelay $0x1  }
0xa2: {  	s23 =	simm.s32 $0x1B8B  }
0xa3: {  	_ =	swait.ge [sflag:s23], $0x1  }
0xa4: {  	[sflag:s23] =	ssyncset.done $0x0  }
0xa5: {  	s25 =	simm.s32 $0x1B8E;
	s24 =	sld [smem:$0x3FFE];
	[sflag:s23] =	ssyncadd.s32 $0xFFFFFFFF  }
0xa6: {  	s26 =	simm.s32 $execute0_lowered;
	[smem:$0x3FD2] =	sst s25  }
0xa7: {  	s6 =	sshll.u32 s26, $0x1;
	_ =	strace $0x80000046;
	[dreg:$0x1] =	wrdreg $0xFFFFFFFF  }
0xa8: {  	s28 =	simm.s32 $_size_execute0_lowered;
	s4 =	sadd.s32 s4, s6;
	[dreg:$0x0] =	wrdreg $0x0  }
0xa9: {  	s6 =	sshll.u32 s28, $0x1;
	[dreg:$0x2] =	wrdreg s4  }
0xaa: {  	[dreg:$0x3] =	wrdreg s6  }
0xab: {  	[dreg:$0x4] =	wrdreg $0xC0  }
0xac: {  	_ =	task [dreg:s8], $0x5FFFF  }
0xad: {  	[dreg:$0x1] =	wrdreg $0xFFFFFFFF  }
0xae: {  	[dreg:$0x0] =	wrdreg $0x60  }
0xaf: {  	[dreg:$0x2] =	wrdreg s24  }
0xb0: {  	[dreg:$0x3] =	wrdreg s2  }
0xb1: {  	[dreg:$0x4] =	wrdreg s18  }
0xb2: {  	[dreg:$0x5] =	wrdreg $0x9  }
0xb3: {  	_ =	task.clear_ibuf [dreg:s8], $0x6FFFF;
	_ =	strace $0x90000046  }
0xb4: {  	s29 =	simm.s32 $0x9;
	_ =	strace $0x80000048  }
0xb5: {  	_ =	swait.ge [sflag:s29], $0x1  }
0xb6: {  	[sflag:s29] =	ssyncadd.s32 $0xFFFFFFFF  }
0xb7: {  	_ =	strace $0x90000048  }
0xb8: {  	_ =	sfence  }
0xb9: {  	s30 =	sld [smem:$0x0];
	_ =	sdelay $0x2  }
0xba: {  	s31 =	sshll.u32 s1, $0xD;
	s1 =	sshrl.u32 s1, $0x2  }
0xbb: {  	s3 =	sand.u32 $0x4000, s31;
	s1 =	sadd.s32 s1, s30  }
0xbc: {  	s0 =	sor.u32 s3, s0;
	s1 =	sshll.u32 s1, $0x11  }
0xbd: {  	s0 =	sor.u32 s1, s0  }
0xbe: {  	s0 =	sadd.s32 $0x8F2B, s0  }
0xbf: {  	[sflag:s0] =	ssyncadd.remote.s32 $0x1  }
0xc0: {  	_ =	sfence.sel $0xFFFF  }
0xc1: {  	[dreg:$0x0] =	wrdreg $0xFFFFFFFF;
	(pc) =	sbr.abs _section_cstart, $3  }
0xc2: {  	[dreg:$0x1] =	wrdreg $0xFFFFFFFF  }
0xc3: {  	_ =	task.clear_ibuf [dreg:s8], $0x2FFFF;
	_ =	strace $0x9FFFFFFF  }
0xc4: {  	(tm) =	ssettm $0x7FFFFFFF  }
0xc5: {  	_ =	shalt  }
tec
execute0_lowered:
.L_overlay_start_1:
0x0: {  	(tag) =	ssettag $0x1  }
0x1: {  	s4 =	rddreg [dreg:$0x0]  }
0x2: {  	s2 =	rddreg [dreg:$0x1]  }
0x3: {  	s1 =	srdreg.scid;
	s0 =	stileid.u32  }
0x4: {  	s5 =	rddreg [dreg:$0x2];
	s3 =	simm.s32 $0x0;
	s12 =	simm.s32 $0x10400  }
0x5: {  	s13 =	simm.s32 $0x15400;
	s14 =	simm.s32 $0x3;
	s15 =	simm.s32 $0x4  }
0x6: {  	s16 =	simm.s32 $0x5;
	s17 =	simm.s32 $0x6;
	s18 =	simm.s32 $0x7  }
0x7: {  	s6 =	sand.u32 $0x1, s1;
	s7 =	sshll.u32 s0, $0x1;
	s10 =	smul.u32 $0xC8000, s0  }
0x8: {  	s7 =	sor.u32 s6, s7;
	s9 =	ssub.s32 $0x2, s6;
	s6 =	smul.u32 $0x64000, s6  }
0x9: {  	s19 =	simm.s32 $0x8;
	s20 =	simm.s32 $0x0;
	s8 =	smul.u32 $0x6400, s7  }
0xa: {  	[smem:$0x7FF] =	sst s3;
	s7 =	smul.u32 $0x64000, s7;
	s31 =	sadd.s32 s10, s5  }
0xb: {  	_ =	strace $0x80000047;
	s30 =	sshrl.u32 s9, $0x1;
	s6 =	sadd.s32 s6, s31  }
0xc: {  	s8 =	sshrl.u32 s8, $0x3;
	s7 =	sadd.s32 s5, s7;
	s6 =	sadd.s32 $0x1400, s6  }
0xd: {  	s4 =	sadd.s32 s8, s4;
	s8 =	ssub.s32 s9, s30;
	s7 =	sadd.s32 $0x62200, s7  }
0xe: {  	s9 =	simm.s32 $0x6400;
	s4 =	sadd.s32 $0x400, s4;
	s5 =	smax.u32 s8, $0x1  }
0xf: {  	[dreg:$0x4] =	wrdreg s7;
	s7 =	simm.s32 $0x1;
	s8 =	simm.s32 $0xA0  }
.LBB2_1:
0x10: {  	[tilespmem:s3], [sflag:$0x1] =	stream.linear.gather [hbm4b:s4+s3], $0x6400, $0x38;
	[tilespmem:$0x1A400] =	vst v63  }
0x11: {  	_ =	swait.ge [sflag:s7], $0x6400  }
0x12: {  	[sflag:s7] =	ssyncset.done $0x0  }
0x13: {  	[sflag:s7] =	ssyncadd.s32 $0xFFFF9C00  }
0x14: {  	[tilespmem:s9], [sflag:$0x1] =	stream.indirect.gather [hbm4b:s2+s8], $0x80, s3, s8, $0xb8;
	[tilespmem:$0x1A400] =	vst v63  }
0x15: {  	s0 =	simm.s32 $0xB400;
	p0 =	por $0x1, $0x1  }
0x16: {  	[tilespmem:s0], [sflag:$0x2] =	stream.indirect.gather [hbm4b:s2+s8], $0x80, s8, s8, $0xb8;
	[tilespmem:$0x1A400] =	vst v63  }
0x17: {  	s30 =	simm.s32 $0x140;
	s21 =	simm.s32 @!p0 $0x8  }
0x18: {  	[tilespmem:s12], [sflag:$0x3] =	stream.indirect.gather [hbm4b:s2+s8], $0x80, s30, s8, $0xb8;
	[tilespmem:$0x1A400] =	vst v63  }
0x19: {  	_ =	swait.ge @!p0 [sflag:s21], $0x5000  }
0x1a: {  	[sflag:s21] =	ssyncset.done @!p0 $0x0  }
0x1b: {  	s22 =	simm.s32 $0x1E0;
	[sflag:s21] =	ssyncadd.s32 @!p0 $0xFFFFB000  }
0x1c: {  	[tilespmem:s13], [sflag:$0x4] =	stream.indirect.gather [hbm4b:s2+s8], $0x80, s22, s8, $0xb8;
	[tilespmem:$0x1A400] =	vst v63  }
0x1d: {  	_ =	swait.ge [sflag:s7], $0x5000  }
0x1e: {  	p0 =	por $0x0, $0x0;
	[sflag:s7] =	ssyncset.done $0x0  }
0x1f: {  	s31 =	sadd.s32 $0xFFFFEC00, s6;
	s22 =	simm.s32 @p0 $0x2;
	[sflag:s7] =	ssyncadd.s32 $0xFFFFB000  }
0x20: {  	[hbm4b:s31+s3] =	stream.linear.scatter [tilespmem:s9], [sflag:$0x5], $0x5000, $0x38;
	[tilespmem:$0x1A400] =	vst v63  }
0x21: {  	_ =	swait.ge @p0 [sflag:s22], $0x5000  }
0x22: {  	s23 =	simm.s32 @p0 $0xB400;
	s24 =	simm.s32 @!p0 $0x5;
	[sflag:s22] =	ssyncset.done @p0 $0x0  }
0x23: {  	s21 =	rddreg [dreg:$0x4];
	[sflag:s22] =	ssyncadd.s32 @p0 $0xFFFFB000;
	s22 =	simm.s32 @p0 $0x0  }
0x24: {  	[hbm4b:s21+s22] =	stream.linear.scatter @p0 [tilespmem:s23], [sflag:$0x6], $0x5000, $0x38;
	[tilespmem:$0x1A400] =	vst v63  }
0x25: {  	_ =	swait.ge @!p0 [sflag:s24], $0x5000  }
0x26: {  	s25 =	simm.s32 @!p0 $0xA0;
	s21 =	simm.s32 @!p0 $0x280;
	[sflag:s24] =	ssyncset.done @!p0 $0x0  }
0x27: {  	s22 =	simm.s32 @!p0 $0x6400;
	s23 =	simm.s32 @!p0 $0x2;
	[sflag:s24] =	ssyncadd.s32 @!p0 $0xFFFFB000  }
0x28: {  	[tilespmem:s22], [sflag:$0x1] =	stream.indirect.gather @!p0 [hbm4b:s2+s25], $0x80, s21, s25, $0xb8;
	[tilespmem:$0x1A400] =	vst v63  }
0x29: {  	_ =	swait.ge @!p0 [sflag:s23], $0x5000  }
0x2a: {  	s24 =	simm.s32 @!p0 $0x0;
	s21 =	simm.s32 @!p0 $0xB400;
	[sflag:s23] =	ssyncset.done @!p0 $0x0  }
0x2b: {  	s22 =	sadd.s32 @!p0 $0xFFFFF600, s6;
	[sflag:s23] =	ssyncadd.s32 @!p0 $0xFFFFB000;
	s23 =	simm.s32 @!p0 $0x6  }
0x2c: {  	[hbm4b:s22+s24] =	stream.linear.scatter @!p0 [tilespmem:s21], [sflag:$0x6], $0x5000, $0x38;
	[tilespmem:$0x1A400] =	vst v63  }
0x2d: {  	_ =	swait.ge @!p0 [sflag:s23], $0x5000  }
0x2e: {  	[sflag:s23] =	ssyncset.done @!p0 $0x0  }
0x2f: {  	s22 =	simm.s32 @!p0 $0x320;
	[sflag:s23] =	ssyncadd.s32 @!p0 $0xFFFFB000  }
0x30: {  	[tilespmem:s21], [sflag:$0x2] =	stream.indirect.gather @!p0 [hbm4b:s2+s25], $0x80, s22, s25, $0xb8;
	[tilespmem:$0x1A400] =	vst v63  }
0x31: {  	_ =	swait.ge [sflag:s14], $0x5000  }
0x32: {  	[sflag:s14] =	ssyncset.done $0x0  }
0x33: {  	s21 =	simm.s32 @!p0 $0x7;
	[sflag:s14] =	ssyncadd.s32 $0xFFFFB000  }
0x34: {  	[hbm4b:s6+s3] =	stream.linear.scatter [tilespmem:s12], [sflag:$0x7], $0x5000, $0x38;
	[tilespmem:$0x1A400] =	vst v63  }
0x35: {  	_ =	swait.ge @!p0 [sflag:s21], $0x5000  }
0x36: {  	p1 =	por $0x0, $0x0;
	s26 =	simm.s32 @!p0 $0x10400;
	[sflag:s21] =	ssyncset.done @!p0 $0x0  }
0x37: {  	s24 =	simm.s32 @!p0 $0x3C0;
	s22 =	sadd.s32 $0x2800, s6;
	[sflag:s21] =	ssyncadd.s32 @!p0 $0xFFFFB000  }
0x38: {  	[tilespmem:s26], [sflag:$0x3] =	stream.indirect.gather @!p0 [hbm4b:s2+s25], $0x80, s24, s25, $0xb8;
	[tilespmem:$0x1A400] =	vst v63  }
0x39: {  	s23 =	simm.s32 $0xA00;
	s21 =	sadd.s32 $0xA00, s22;
	s24 =	sadd.s32 $0xA00, s6  }
0x3a: {  	s25 =	simm.s32 $0x1400;
	s26 =	sadd.s32 $0x2800, s22;
	_ =	swait.ge [sflag:s15], $0x5000  }
.LBB2_2:
0x3b: {  	[sflag:s15] =	ssyncset.done $0x0  }
0x3c: {  	s28 =	simm.s32 @!p1 $0x8;
	[sflag:s15] =	ssyncadd.s32 $0xFFFFB000  }
0x3d: {  	[hbm4b:s24+s3] =	stream.linear.scatter [tilespmem:s13], [sflag:$0x8], $0x5000, $0x38;
	[tilespmem:$0x1A400] =	vst v63  }
0x3e: {  	_ =	swait.ge @!p1 [sflag:s28], $0x5000  }
0x3f: {  	s31 =	sshra.s32 s23, $0x2;
	[sflag:s28] =	ssyncset.done @!p1 $0x0  }
0x40: {  	s31 =	sadd.s32 $0x1E0, s31;
	[sflag:s28] =	ssyncadd.s32 @!p1 $0xFFFFB000  }
0x41: {  	[tilespmem:s13], [sflag:$0x4] =	stream.indirect.gather [hbm4b:s2+s8], $0x80, s31, s8, $0xb8;
	[tilespmem:$0x1A400] =	vst v63  }
0x42: {  	s30 =	sadd.s32 $0xA00, s26;
	s24 =	smov.u32 s21;
	_ =	swait.ge [sflag:s7], $0x5000  }
0x43: {  	s21 =	smov.u32 s30;
	p1 =	seq.s32 s23, $0x18600;
	[sflag:s7] =	ssyncset.done $0x0  }
0x44: {  	s31 =	sadd.s32 $0xFFFFEC00, s22;
	s30 =	simm.s32 @p1 $0x2;
	[sflag:s7] =	ssyncadd.s32 $0xFFFFB000  }
0x45: {  	[hbm4b:s31+s3] =	stream.linear.scatter [tilespmem:s9], [sflag:$0x5], $0x5000, $0x38;
	[tilespmem:$0x1A400] =	vst v63  }
0x46: {  	s23 =	sshra.s32 @!p1 s23, $0x2;
	_ =	swait.ge @p1 [sflag:s30], $0x5000  }
0x47: {  	s10 =	simm.s32 @p1 $0xB400;
	s11 =	simm.s32 @!p1 $0x5;
	[sflag:s30] =	ssyncset.done @p1 $0x0  }
0x48: {  	s1 =	rddreg [dreg:$0x4];
	[sflag:s30] =	ssyncadd.s32 @p1 $0xFFFFB000;
	s30 =	simm.s32 @p1 $0x0  }
0x49: {  	[hbm4b:s1+s30] =	stream.linear.scatter @p1 [tilespmem:s10], [sflag:$0x6], $0x5000, $0x38;
	[tilespmem:$0x1A400] =	vst v63  }
0x4a: {  	s29 =	smov.u32 s25;
	s28 =	sadd.s32 @!p1 $0x280, s23;
	_ =	swait.ge @!p1 [sflag:s11], $0x5000  }
0x4b: {  	s0 =	sadd.s32 @!p1 $0x3C0, s23;
	s1 =	simm.s32 @!p1 $0xA0;
	[sflag:s11] =	ssyncset.done @!p1 $0x0  }
0x4c: {  	s10 =	simm.s32 @!p1 $0x6400;
	[sflag:s11] =	ssyncadd.s32 @!p1 $0xFFFFB000;
	s11 =	simm.s32 @!p1 $0x2  }
0x4d: {  	[tilespmem:s10], [sflag:$0x1] =	stream.indirect.gather @!p1 [hbm4b:s2+s1], $0x80, s28, s1, $0xb8;
	[tilespmem:$0x1A400] =	vst v63  }
0x4e: {  	s31 =	sadd.s32 @!p1 $0x320, s23;
	s23 =	smov.u32 s29;
	_ =	swait.ge @!p1 [sflag:s11], $0x5000  }
0x4f: {  	s29 =	simm.s32 @!p1 $0x0;
	s10 =	simm.s32 @!p1 $0xB400;
	[sflag:s11] =	ssyncset.done @!p1 $0x0  }
0x50: {  	s28 =	sadd.s32 @!p1 $0xFFFFF600, s22;
	[sflag:s11] =	ssyncadd.s32 @!p1 $0xFFFFB000;
	s11 =	simm.s32 @!p1 $0x6  }
0x51: {  	[hbm4b:s28+s29] =	stream.linear.scatter @!p1 [tilespmem:s10], [sflag:$0x6], $0x5000, $0x38;
	[tilespmem:$0x1A400] =	vst v63  }
0x52: {  	_ =	swait.ge @!p1 [sflag:s11], $0x5000  }
0x53: {  	[sflag:s11] =	ssyncset.done @!p1 $0x0  }
0x54: {  	[sflag:s11] =	ssyncadd.s32 @!p1 $0xFFFFB000  }
0x55: {  	[tilespmem:s10], [sflag:$0x2] =	stream.indirect.gather @!p1 [hbm4b:s2+s1], $0x80, s31, s1, $0xb8;
	[tilespmem:$0x1A400] =	vst v63  }
0x56: {  	_ =	swait.ge [sflag:s14], $0x5000  }
0x57: {  	s25 =	sadd.s32 $0xA00, s25;
	[sflag:s14] =	ssyncset.done $0x0  }
0x58: {  	p0 =	sne.s32 s25, $0x19000;
	s10 =	simm.s32 @!p1 $0x7;
	[sflag:s14] =	ssyncadd.s32 $0xFFFFB000  }
0x59: {  	[hbm4b:s22+s3] =	stream.linear.scatter [tilespmem:s12], [sflag:$0x7], $0x5000, $0x38;
	[tilespmem:$0x1A400] =	vst v63  }
.Ltmp0:
0x5a: {  	_ =	swait.ge @!p1 [sflag:s10], $0x5000;
	(pc) =	sbr.rel @p0 .LBB2_2-.Ltmp0, $4  }
0x5b: {  	[sflag:s10] =	ssyncset.done @!p1 $0x0  }
0x5c: {  	s11 =	simm.s32 @!p1 $0x10400;
	s22 =	smov.u32 s26;
	[sflag:s10] =	ssyncadd.s32 @!p1 $0xFFFFB000  }
0x5d: {  	[tilespmem:s11], [sflag:$0x3] =	stream.indirect.gather @!p1 [hbm4b:s2+s1], $0x80, s0, s1, $0xb8;
	[tilespmem:$0x1A400] =	vst v63  }
0x5e: {  	s26 =	sadd.s32 $0x2800, s26;
	p1 =	seq.s32 s23, $0x0;
	_ =	swait.ge [sflag:s15], $0x5000  }
0x5f: {  	[sflag:s15] =	ssyncset.done $0x0  }
0x60: {  	s0 =	simm.s32 @!p1 $0x8;
	[sflag:s15] =	ssyncadd.s32 $0xFFFFB000  }
0x61: {  	[hbm4b:s24+s3] =	stream.linear.scatter [tilespmem:s13], [sflag:$0x8], $0x5000, $0x38;
	[tilespmem:$0x1A400] =	vst v63  }
0x62: {  	_ =	swait.ge @!p1 [sflag:s0], $0x5000  }
0x63: {  	s1 =	sshra.s32 s23, $0x2;
	[sflag:s0] =	ssyncset.done @!p1 $0x0  }
0x64: {  	s1 =	sadd.s32 $0x1E0, s1;
	[sflag:s0] =	ssyncadd.s32 @!p1 $0xFFFFB000  }
0x65: {  	[tilespmem:s13], [sflag:$0x4] =	stream.indirect.gather [hbm4b:s2+s8], $0x80, s1, s8, $0xb8;
	[tilespmem:$0x1A400] =	vst v63  }
0x66: {  	_ =	swait.ge [sflag:s7], $0x5000  }
0x67: {  	p0 =	seq.s32 s23, $0x18600;
	[sflag:s7] =	ssyncset.done $0x0  }
0x68: {  	s31 =	sadd.s32 $0xFFFFEC00, s22;
	s1 =	simm.s32 @p0 $0x2;
	[sflag:s7] =	ssyncadd.s32 $0xFFFFB000  }
0x69: {  	[hbm4b:s31+s3] =	stream.linear.scatter [tilespmem:s9], [sflag:$0x5], $0x5000, $0x38;
	[tilespmem:$0x1A400] =	vst v63  }
0x6a: {  	_ =	swait.ge @p0 [sflag:s1], $0x5000  }
0x6b: {  	s10 =	simm.s32 @p0 $0xB400;
	s11 =	simm.s32 @!p0 $0x5;
	[sflag:s1] =	ssyncset.done @p0 $0x0  }
0x6c: {  	s0 =	rddreg [dreg:$0x4];
	[sflag:s1] =	ssyncadd.s32 @p0 $0xFFFFB000;
	s1 =	simm.s32 @p0 $0x0  }
0x6d: {  	[hbm4b:s0+s1] =	stream.linear.scatter @p0 [tilespmem:s10], [sflag:$0x6], $0x5000, $0x38;
	[tilespmem:$0x1A400] =	vst v63  }
0x6e: {  	s0 =	sshra.s32 @!p0 s23, $0x2;
	_ =	swait.ge @!p0 [sflag:s11], $0x5000  }
0x6f: {  	s10 =	simm.s32 @!p0 $0xA0;
	s23 =	simm.s32 @!p0 $0x6400;
	[sflag:s11] =	ssyncset.done @!p0 $0x0  }
0x70: {  	s1 =	sadd.s32 @!p0 $0x280, s0;
	[sflag:s11] =	ssyncadd.s32 @!p0 $0xFFFFB000;
	s11 =	simm.s32 @!p0 $0x2  }
0x71: {  	[tilespmem:s23], [sflag:$0x1] =	stream.indirect.gather @!p0 [hbm4b:s2+s10], $0x80, s1, s10, $0xb8;
	[tilespmem:$0x1A400] =	vst v63  }
0x72: {  	_ =	swait.ge @!p0 [sflag:s11], $0x5000  }
0x73: {  	s24 =	simm.s32 @!p0 $0x0;
	s1 =	simm.s32 @!p0 $0xB400;
	[sflag:s11] =	ssyncset.done @!p0 $0x0  }
0x74: {  	s23 =	sadd.s32 @!p0 $0xFFFFF600, s22;
	[sflag:s11] =	ssyncadd.s32 @!p0 $0xFFFFB000;
	s11 =	simm.s32 @!p0 $0x6  }
0x75: {  	[hbm4b:s23+s24] =	stream.linear.scatter @!p0 [tilespmem:s1], [sflag:$0x6], $0x5000, $0x38;
	[tilespmem:$0x1A400] =	vst v63  }
0x76: {  	_ =	swait.ge @!p0 [sflag:s11], $0x5000  }
0x77: {  	[sflag:s11] =	ssyncset.done @!p0 $0x0  }
0x78: {  	s23 =	sadd.s32 @!p0 $0x320, s0;
	[sflag:s11] =	ssyncadd.s32 @!p0 $0xFFFFB000  }
0x79: {  	[tilespmem:s1], [sflag:$0x2] =	stream.indirect.gather @!p0 [hbm4b:s2+s10], $0x80, s23, s10, $0xb8;
	[tilespmem:$0x1A400] =	vst v63  }
0x7a: {  	_ =	swait.ge [sflag:s14], $0x5000  }
0x7b: {  	[sflag:s14] =	ssyncset.done $0x0  }
0x7c: {  	s1 =	simm.s32 @!p0 $0x7;
	[sflag:s14] =	ssyncadd.s32 $0xFFFFB000  }
0x7d: {  	[hbm4b:s22+s3] =	stream.linear.scatter [tilespmem:s12], [sflag:$0x7], $0x5000, $0x38;
	[tilespmem:$0x1A400] =	vst v63  }
0x7e: {  	_ =	swait.ge @!p0 [sflag:s1], $0x5000  }
0x7f: {  	[sflag:s1] =	ssyncset.done @!p0 $0x0  }
0x80: {  	s0 =	sadd.s32 @!p0 $0x3C0, s0;
	s11 =	simm.s32 @!p0 $0x10400;
	[sflag:s1] =	ssyncadd.s32 @!p0 $0xFFFFB000  }
0x81: {  	[tilespmem:s11], [sflag:$0x3] =	stream.indirect.gather @!p0 [hbm4b:s2+s10], $0x80, s0, s10, $0xb8;
	[tilespmem:$0x1A400] =	vst v63  }
0x82: {  	_ =	swait.ge [sflag:s15], $0x5000  }
0x83: {  	[sflag:s15] =	ssyncset.done $0x0  }
0x84: {  	[sflag:s15] =	ssyncadd.s32 $0xFFFFB000  }
0x85: {  	[hbm4b:s21+s3] =	stream.linear.scatter [tilespmem:s13], [sflag:$0x8], $0x5000, $0x38;
	[tilespmem:$0x1A400] =	vst v63  }
0x86: {  	_ =	swait.ge [sflag:s16], $0x5000  }
0x87: {  	[sflag:s16] =	ssyncset.done $0x0  }
0x88: {  	[sflag:s16] =	ssyncadd.s32 $0xFFFFB000  }
0x89: {  	_ =	swait.ge [sflag:s17], $0x5000  }
0x8a: {  	[sflag:s17] =	ssyncset.done $0x0  }
0x8b: {  	s20 =	sadd.s32 $0x1, s20;
	[sflag:s17] =	ssyncadd.s32 $0xFFFFB000  }
0x8c: {  	p0 =	sne.s32 s20, s5;
	_ =	swait.ge [sflag:s18], $0x5000  }
.Ltmp1:
0x8d: {  	[sflag:s18] =	ssyncset.done $0x0;
	(pc) =	sbr.rel @p0 .LBB2_1-.Ltmp1, $4  }
0x8e: {  	[sflag:s18] =	ssyncadd.s32 $0xFFFFB000  }
0x8f: {  	_ =	swait.ge [sflag:s19], $0x5000  }
0x90: {  	[sflag:s19] =	ssyncset.done $0x0  }
0x91: {  	[sflag:s19] =	ssyncadd.s32 $0xFFFFB000  }
0x92: {  	_ =	sfence.sel $0x180000  }
0x93: {  	[bflag:$0x0] =	sbarrier.arrive $0xFFFF  }
0x94: {  	_ =	strace $0x90000047  }
0x95: {  	s0 =	stileid.u32;
	[bflag:$0x2] =	sbarrier.arrive $0xFFFF  }
0x96: {  	p0 =	sne.s32 s0, $0x0;
	s0 =	rddreg [dreg:$0x3]  }
0x97: {  	s0 =	sadd.s32 @!p0 $0x100000, s0  }
0x98: {  	[sflag:s0] =	ssyncadd.tile.s32 @!p0 $0x1;
	_ =	shalt  }
.Lfunc_end2:
_tile_overlayer_lowered:
.L_overlay_start_2:
0x99: {  	(tag) =	ssettag $0x2  }
0x9a: {  	s0 =	rddreg [dreg:$0x0];
	s2 =	stileid.u32  }
0x9b: {  	s1 =	rddreg [dreg:$0x1];
	p0 =	sne.s32 s2, $0x0  }
0x9c: {  	s3 =	rddreg [dreg:$0x2];
	[bflag:$0x3] =	sbarrier.arrive $0xFFFF;
	s2 =	simm.s32 @!p0 $0x1C09  }
0x9d: {  	[timem:s3], [sflag:s2] =	dma.local @!p0 [hbm:s0], s1  }
0x9e: {  	s0 =	simm.s32 @!p0 $0x9  }
0x9f: {  	_ =	swait.ge @!p0 [sflag:s0], s1  }
0xa0: {  	s1 =	ssub.s32 @!p0 $0x0, s1;
	[sflag:s0] =	ssyncset.done @!p0 $0x0  }
0xa1: {  	[sflag:s0] =	ssyncadd.s32 @!p0 s1  }
0xa2: {  	[bflag:$0x3] =	sbarrier.arrive $0xFFFF  }
0xa3: {  	_ =	shalt  }

</sc_bundles>
